<compile_context>
chip_gen: v7x
topology: tpu7x:2x2x1
jax: 0.10.2.dev20260603
libtpu: 0.0.44.dev20260713+nightly
codegen_flags: <defaults>
</compile_context>

<pallas_src>
import jax
import jax.numpy as jnp
from jax import lax
from jax.experimental import pallas as pl
from jax.experimental.pallas import tpu as pltpu
from jax.experimental.pallas import tpu_sc as plsc

N = 10000
E = 320000
D = 128
DE = 4
H = 128
NPG = 100

NC = 2
NS = 16
NPT = 640
NPAD = NS * NPT
CH = 512
NCHK = 20
EPT = CH * NCHK
EPAD = EPT * NS * NC
NEG = -1e30

_f32 = jnp.float32
_PREC = lax.Precision.HIGHEST



def _edge_chain_tc(e2, w1, b1, a1, w2, b2, a2, w3, b3, a3):
    e32 = E // 32
    blk = 1000

    def body(e_ref, w1_ref, b1_ref, a1_ref, w2_ref, b2_ref, a2_ref,
             w3_ref, b3_ref, a3_ref, o1_ref, o2_ref, o3_ref,
             m1_ref, m2_ref, m3_ref):
        i = pl.program_id(0)
        xv = e_ref[...]
        xv = jnp.where(jnp.isnan(xv), 0.0, xv)
        ea1 = jnp.dot(xv, w1_ref[...], preferred_element_type=_f32, precision=_PREC) + b1_ref[...]
        o1 = jnp.dot(ea1, a1_ref[...], preferred_element_type=_f32, precision=_PREC)
        o1_ref[...] = o1
        ea2 = jnp.dot(ea1, w2_ref[...], preferred_element_type=_f32, precision=_PREC) + b2_ref[...]
        o2 = jnp.dot(ea2, a2_ref[...], preferred_element_type=_f32, precision=_PREC)
        o2_ref[...] = o2
        ea3 = jnp.dot(ea2, w3_ref[...], preferred_element_type=_f32, precision=_PREC) + b3_ref[...]
        o3 = jnp.dot(ea3, a3_ref[...], preferred_element_type=_f32, precision=_PREC)
        o3_ref[...] = o3
        for o, m_ref in ((o1, m1_ref), (o2, m2_ref), (o3, m3_ref)):
            cur = jnp.full((1, 128), jnp.max(o), _f32)

            @pl.when(i == 0)
            def _():
                m_ref[...] = cur

            @pl.when(i > 0)
            def _():
                m_ref[...] = jnp.maximum(m_ref[...], cur)

    espec = pl.BlockSpec((blk, 128), lambda i: (i, 0))
    wspec = pl.BlockSpec((128, 128), lambda i: (0, 0))
    bspec = pl.BlockSpec((1, 128), lambda i: (0, 0))
    aspec = pl.BlockSpec((128, 32), lambda i: (0, 0))
    ospec = pl.BlockSpec((blk, 32), lambda i: (i, 0))
    mspec = pl.BlockSpec((1, 128), lambda i: (0, 0))
    return pl.pallas_call(
        body,
        grid=(e32 // blk,),
        in_specs=[espec, wspec, bspec, aspec, wspec, bspec, aspec,
                  wspec, bspec, aspec],
        out_specs=[ospec, ospec, ospec, mspec, mspec, mspec],
        out_shape=[jax.ShapeDtypeStruct((e32, 32), _f32)] * 3
        + [jax.ShapeDtypeStruct((1, 128), _f32)] * 3,
    )(e2, w1, b1, a1, w2, b2, a2, w3, b3, a3)


_BLK = 1024
_xspec = pl.BlockSpec((_BLK, 128), lambda i: (i, 0))
_wspec = pl.BlockSpec((128, 128), lambda i: (0, 0))
_bspec = pl.BlockSpec((1, 128), lambda i: (0, 0))
_vspec = pl.BlockSpec((_BLK,), lambda i: (i,))
_mspec = pl.BlockSpec((1, 128), lambda i: (0, 0))


def _node_tc(a0, a1, d0, d1, w, b, ad, as_, rflag):

    def body(a0_ref, a1_ref, d0_ref, d1_ref, w_ref, b_ref, ad_ref, as_ref,
             rf_ref, h_ref, hd_ref, hs_ref, mxd_ref, mxs_ref):
        i = pl.program_id(0)
        d = d0_ref[...] + d1_ref[...]
        inv = jnp.where(d > 0.0, 1.0 / d, 0.0)
        xv = (a0_ref[...] + a1_ref[...]) * inv[:, None]
        xv = jnp.where(rf_ref[...] > 0.0, jnp.maximum(xv, 0.0), xv)
        h = jnp.dot(xv, w_ref[...], preferred_element_type=_f32, precision=_PREC)
        h = h + b_ref[...]
        h_ref[...] = h
        hdv = jnp.sum(h * ad_ref[...], axis=1)
        hsv = jnp.sum(h * as_ref[...], axis=1)
        hd_ref[...] = hdv
        hs_ref[...] = hsv
        curd = jnp.full((1, 128), jnp.max(hdv), _f32)
        curs = jnp.full((1, 128), jnp.max(hsv), _f32)

        @pl.when(i == 0)
        def _():
            mxd_ref[...] = curd
            mxs_ref[...] = curs

        @pl.when(i > 0)
        def _():
            mxd_ref[...] = jnp.maximum(mxd_ref[...], curd)
            mxs_ref[...] = jnp.maximum(mxs_ref[...], curs)

    return pl.pallas_call(
        body,
        grid=(NPAD // _BLK,),
        in_specs=[_xspec, _xspec, _vspec, _vspec, _wspec, _bspec, _bspec,
                  _bspec, pl.BlockSpec((1, 1), lambda i: (0, 0))],
        out_specs=[_xspec, _vspec, _vspec, _mspec, _mspec],
        out_shape=[
            jax.ShapeDtypeStruct((NPAD, 128), _f32),
            jax.ShapeDtypeStruct((NPAD,), _f32),
            jax.ShapeDtypeStruct((NPAD,), _f32),
            jax.ShapeDtypeStruct((1, 128), _f32),
            jax.ShapeDtypeStruct((1, 128), _f32),
        ],
    )(a0, a1, d0, d1, w, b.reshape(1, 128), ad, as_, rflag)


def _final_tc(a0, a1, d0, d1, wl, bl):
    def body(a0_ref, a1_ref, d0_ref, d1_ref, w_ref, b_ref, o_ref):
        d = d0_ref[...] + d1_ref[...]
        inv = jnp.where(d > 0.0, 1.0 / d, 0.0)
        xv = (a0_ref[...] + a1_ref[...]) * inv[:, None]
        o_ref[...] = jnp.dot(xv, w_ref[...], preferred_element_type=_f32, precision=_PREC) + b_ref[...]

    return pl.pallas_call(
        body,
        grid=(NPAD // _BLK,),
        in_specs=[_xspec, _xspec, _vspec, _vspec,
                  pl.BlockSpec((128, 1), lambda i: (0, 0)),
                  pl.BlockSpec((1, 1), lambda i: (0, 0))],
        out_specs=pl.BlockSpec((_BLK, 1), lambda i: (i, 0)),
        out_shape=jax.ShapeDtypeStruct((NPAD, 1), _f32),
    )(a0, a1, d0, d1, wl, bl)



NF = 16
NP = H // NF


def _sc_layer_body(h8_hbm, hd_hbm, hs_hbm, mc_hbm, et_hbm, src_hbm, dst_hbm,
                   z2_hbm, z1_hbm, a0_hbm, a1_hbm, d0_hbm, d1_hbm,
                   hd_v, hs_v, src_v, src8_v, dst_v, et_v, rows_v, mbuf_v,
                   acc_s, den_s, gsem0, gsem1):
    c = lax.axis_index("c")
    s = lax.axis_index("s")
    tid = c * NS + s

    pltpu.sync_copy(hd_hbm, hd_v)
    pltpu.sync_copy(hs_hbm, hs_v)
    pltpu.sync_copy(src_hbm.at[tid], src_v)
    pltpu.sync_copy(dst_hbm.at[tid], dst_v)
    pltpu.sync_copy(et_hbm.at[tid], et_v)
    pltpu.sync_copy(mc_hbm, mbuf_v)
    pltpu.sync_copy(z1_hbm, den_s.at[pl.ds(s * NPT, NPT)])
    plsc.subcore_barrier()

    mvec = mbuf_v[pl.ds(0, 16)] + mbuf_v[pl.ds(128, 16)] + mbuf_v[pl.ds(256, 16)]

    @pl.loop(0, NCHK)
    def _(j):
        @pl.loop(0, CH // 16)
        def _(u):
            sl = pl.ds(u * 16, 16)
            di = dst_v[j, sl]
            si = src_v[j, sl]
            l = (plsc.load_gather(hd_v, [di])
                 + plsc.load_gather(hs_v, [si]) + et_v[j, sl])
            l = jnp.where(l > 0.0, l, l * 0.2)
            et_v[j, sl] = jnp.exp(l - mvec)

    @pl.loop(0, NCHK)
    def _(j):
        pltpu.sync_copy(et_v.at[j], den_s.at[dst_v.at[j]], add=True)

    plsc.subcore_barrier()
    osl = pl.ds(s * NPT, NPT)

    @pl.when(c == 0)
    def _():
        pltpu.sync_copy(den_s.at[osl], d0_hbm.at[osl])

    @pl.when(c == 1)
    def _():
        pltpu.sync_copy(den_s.at[osl], d1_hbm.at[osl])

    gsems = (gsem0, gsem1)

    def gcopy(j, b):
        return pltpu.make_async_copy(
            h8_hbm.at[src8_v.at[j]], rows_v.at[b], gsems[b])

    @pl.loop(0, NP)
    def _(p):
        @pl.loop(0, NCHK)
        def _(j):
            @pl.loop(0, CH // 16)
            def _(u):
                sl = pl.ds(u * 16, 16)
                src8_v[j, sl] = src_v[j, sl] * NP + p

        pltpu.sync_copy(z2_hbm, acc_s.at[pl.ds(s * NPT, NPT)])
        plsc.subcore_barrier()

        gcopy(0, 0).start()

        def pair(q, _):
            for b in range(2):
                j = q * 2 + b

                @pl.when(j + 1 < NCHK)
                def _():
                    gcopy(j + 1, 1 - b).start()

                gcopy(j, b).wait()

                @pl.loop(0, CH // 16)
                def _(u):
                    ex16 = et_v[j, pl.ds(u * 16, 16)]
                    for t in range(16):
                        g = ex16[t]
                        r = u * 16 + t
                        rows_v[b, r, :] = rows_v[b, r, :] * g

                pltpu.sync_copy(rows_v.at[b], acc_s.at[dst_v.at[j]],
                                add=True)
            return 0

        lax.fori_loop(0, NCHK // 2, pair, 0)
        plsc.subcore_barrier()

        fsl = pl.ds(p * NF, NF)

        @pl.when(c == 0)
        def _():
            pltpu.sync_copy(acc_s.at[osl], a0_hbm.at[osl, fsl])

        @pl.when(c == 1)
        def _():
            pltpu.sync_copy(acc_s.at[osl], a1_hbm.at[osl, fsl])


_sc_layer = pl.kernel(
    _sc_layer_body,
    out_type=(jax.ShapeDtypeStruct((NPAD, 128), _f32),
              jax.ShapeDtypeStruct((NPAD, 128), _f32),
              jax.ShapeDtypeStruct((NPAD,), _f32),
              jax.ShapeDtypeStruct((NPAD,), _f32)),
    mesh=plsc.VectorSubcoreMesh(core_axis_name="c", subcore_axis_name="s"),
    compiler_params=pltpu.CompilerParams(needs_layout_passes=False,
                                         use_tc_tiling_on_sc=False),
    scratch_types=[
        pltpu.VMEM((NPAD,), _f32),
        pltpu.VMEM((NPAD,), _f32),
        pltpu.VMEM((NCHK, CH), jnp.int32),
        pltpu.VMEM((NCHK, CH), jnp.int32),
        pltpu.VMEM((NCHK, CH), jnp.int32),
        pltpu.VMEM((NCHK, CH), _f32),
        pltpu.VMEM((2, CH, NF), _f32),
        pltpu.VMEM((384,), _f32),
        pltpu.VMEM_SHARED((NPAD, NF), _f32),
        pltpu.VMEM_SHARED((NPAD,), _f32),
        pltpu.SemaphoreType.DMA,
        pltpu.SemaphoreType.DMA,
    ],
)



def kernel(x, edge_index, edge_attr, batch, Wn1, bn1, We1, be1, att1,
           Wn2, bn2, We2, be2, att2, Wn3, bn3, We3, be3, att3, Wl, bl):
    del batch

    src = edge_index[0]
    dst = edge_index[1]
    pad_idx = (jnp.arange(EPAD - E, dtype=jnp.int32) % N)
    src1 = jnp.concatenate([src, pad_idx]).reshape(NC * NS, NCHK, CH)
    dst1 = jnp.concatenate([dst, pad_idx]).reshape(NC * NS, NCHK, CH)

    e2 = edge_attr.reshape(E // 32, 128)
    eye = jnp.eye(32, dtype=_f32)

    def kron_w(we, be, att):
        wk = jnp.kron(eye, we)
        bk = jnp.tile(be, 32).reshape(1, 128)
        ak = jnp.kron(eye, att[2 * H:].reshape(DE, 1))
        return wk, bk, ak

    w1k, b1k, a1k = kron_w(We1, be1, att1)
    w2k, b2k, a2k = kron_w(We2, be2, att2)
    w3k, b3k, a3k = kron_w(We3, be3, att3)

    et1, et2, et3, me1, me2, me3 = _edge_chain_tc(
        e2, w1k, b1k, a1k, w2k, b2k, a2k, w3k, b3k, a3k)

    neg = jnp.full((EPAD - E,), NEG, _f32)

    def pack_et(et):
        return jnp.concatenate([et.reshape(E), neg]).reshape(NC * NS, NCHK, CH)

    et1p, et2p, et3p = pack_et(et1), pack_et(et2), pack_et(et3)

    xpad = jnp.pad(x, ((0, NPAD - N), (0, 0)))
    z2 = jnp.zeros((NPT, NF), _f32)
    z1 = jnp.zeros((NPT,), _f32)

    def att_parts(att):
        return att[:H].reshape(1, 128), att[H:2 * H].reshape(1, 128)

    ad1, as1 = att_parts(att1)
    ad2, as2 = att_parts(att2)
    ad3, as3 = att_parts(att3)

    wn_s = jnp.stack([Wn1, Wn2, Wn3])
    bn_s = jnp.stack([bn1, bn2, bn3])
    ad_s = jnp.stack([ad1, ad2, ad3])
    as_s = jnp.stack([as1, as2, as3])
    rf_s = jnp.asarray([0.0, 1.0, 1.0], _f32).reshape(3, 1, 1)
    et_s = jnp.stack([et1p, et2p, et3p])
    me_s = jnp.stack([me1, me2, me3])

    def layer(carry, xs):
        a0, a1_, d0, d1 = carry
        wn, bn, ad, as_, rf, etp, mce = xs
        h, hd, hs, mxd, mxs = _node_tc(a0, a1_, d0, d1, wn, bn, ad, as_, rf)
        mc = jnp.concatenate([mxd, mxs, mce], axis=1).reshape(384)
        h8 = h.reshape(NPAD * NP, NF)
        a0, a1_, d0, d1 = _sc_layer(h8, hd, hs, mc, etp, src1, dst1,
                                    z2, z1)
        return (a0, a1_, d0, d1), None

    zeros = jnp.zeros((NPAD, 128), _f32)
    halves = jnp.full((NPAD,), 0.5, _f32)
    init = (xpad, zeros, halves, halves)
    (a0, a1_, d0, d1), _ = lax.scan(
        layer, init, (wn_s, bn_s, ad_s, as_s, rf_s, et_s, me_s))

    y = _final_tc(a0, a1_, d0, d1, Wl, bl.reshape(1, 1))
    return y[(NPG - 1) // 2:N:NPG]

# --- scband reference (transcript-rebuilt; emitter-appended) ---
"""Pipeline reference for scband-wegat-net-82317343195656 (READ-ONLY COPY).

The authoritative reference and input builder live on the scoring server;
editing this copy changes nothing except your own understanding.
"""

import jax, jax.numpy as jnp
import numpy as np

N = 10000
E = 320000
D = 128      # NUMCHIP (node in features)
DE = 4       # NUMEDGE (edge features)
H = 128      # hidden_channels
NPG = 100    # NUMNODESPERGRAPH


def _param(key, shape, scale=0.1):
    return jax.random.normal(key, shape, dtype=jnp.float32) * scale


def setup_inputs(seed: int = 0) -> dict:
    key = jax.random.key(seed)
    ks = jax.random.split(key, 32)
    inp = {}
    inp['x'] = jax.random.normal(ks[0], (N, D), dtype=jnp.float32)
    inp['edge_index'] = jax.random.randint(ks[1], (2, E), 0, N, dtype=jnp.int32)
    ea = jax.random.normal(ks[2], (E, DE), dtype=jnp.float32)
    inp['edge_attr'] = ea
    inp['batch'] = jnp.repeat(jnp.arange(NPG, dtype=jnp.int32), N // NPG)
    # WEGATConv 1: in=D -> H, edge DE -> DE
    inp['Wn1'] = _param(ks[3], (D, H)); inp['bn1'] = jnp.zeros((H,), jnp.float32)
    inp['We1'] = _param(ks[4], (DE, DE)); inp['be1'] = jnp.zeros((DE,), jnp.float32)
    inp['att1'] = _param(ks[5], (2 * H + DE,))
    # WEGATConv 2: in=H -> H
    inp['Wn2'] = _param(ks[6], (H, H)); inp['bn2'] = jnp.zeros((H,), jnp.float32)
    inp['We2'] = _param(ks[7], (DE, DE)); inp['be2'] = jnp.zeros((DE,), jnp.float32)
    inp['att2'] = _param(ks[8], (2 * H + DE,))
    # WEGATConv 3: in=H -> H
    inp['Wn3'] = _param(ks[9], (H, H)); inp['bn3'] = jnp.zeros((H,), jnp.float32)
    inp['We3'] = _param(ks[10], (DE, DE)); inp['be3'] = jnp.zeros((DE,), jnp.float32)
    inp['att3'] = _param(ks[11], (2 * H + DE,))
    # final Linear(H, 1)
    inp['Wl'] = _param(ks[12], (H, 1)); inp['bl'] = jnp.zeros((1,), jnp.float32)
    return inp


def _wegat_conv(x, e, src, dst, Wn, bn, We, be, att):
    # weighted-edge GAT conv: linear on nodes and edges, attention from [x_i, x_j, e_ij]
    h = x @ Wn + bn                       # [N, H]
    ea = e @ We + be                      # [E, DE]
    feat = jnp.concatenate([h[dst], h[src], ea], axis=1)   # [E, 2H+DE]
    logits = jax.nn.leaky_relu(feat @ att, negative_slope=0.2)  # [E]
    m = jax.ops.segment_max(logits, dst, num_segments=N)
    m = jnp.where(jnp.isfinite(m), m, 0.0)
    ex = jnp.exp(logits - m[dst])
    denom = jax.ops.segment_sum(ex, dst, num_segments=N)
    alpha = ex / (denom[dst] + 1e-16)
    out = jax.ops.segment_sum(h[src] * alpha[:, None], dst, num_segments=N)
    return out, ea


def reference(x, edge_index, edge_attr, batch, Wn1, bn1, We1, be1, att1,
              Wn2, bn2, We2, be2, att2, Wn3, bn3, We3, be3, att3, Wl, bl):
    src = edge_index[0]
    dst = edge_index[1]
    e = jnp.where(jnp.isnan(edge_attr), 0.0, edge_attr)  # edge_attr[isnan] = 0
    x1, e1 = _wegat_conv(x, e, src, dst, Wn1, bn1, We1, be1, att1)
    x1 = jax.nn.relu(x1)
    # NOTE: original code calls edge_attr.relu() without assignment -> no-op; kept faithful
    x2, e2 = _wegat_conv(x1, e1, src, dst, Wn2, bn2, We2, be2, att2)
    x2 = jax.nn.relu(x2)
    x3, _ = _wegat_conv(x2, e2, src, dst, Wn3, bn3, We3, be3, att3)
    mid_idx = jnp.arange(int(0.5 * (NPG - 1)), N, NPG)  # get_middle_features
    xm = x3[mid_idx, :]                                 # [NPG, H]
    out = xm @ Wl + bl                                  # [NPG, 1]
    return out

if __name__ == "__main__":
    import jax
    _d = setup_inputs()
    print(jax.jit(kernel)(*tuple(_d.values())))

</pallas_src>

<mosaic_0001>
#map = affine_map<(d0, d1) -> (0, 0)>
#map1 = affine_map<(d0, d1) -> (0)>
#map2 = affine_map<(d0, d1) -> (0, 0, 0)>
module attributes {stable_mosaic.version = 14 : i64} {
  func.func @_sc_layer_body(%arg0: i32, %arg1: i32, %arg2: memref<81920x16xf32, #tpu.memory_space<hbm>>, %arg3: memref<10240xf32, #tpu.memory_space<hbm>>, %arg4: memref<10240xf32, #tpu.memory_space<hbm>>, %arg5: memref<384xf32, #tpu.memory_space<hbm>>, %arg6: memref<32x20x512xf32, #tpu.memory_space<hbm>>, %arg7: memref<32x20x512xi32, #tpu.memory_space<hbm>>, %arg8: memref<32x20x512xi32, #tpu.memory_space<hbm>>, %arg9: memref<640x16xf32, #tpu.memory_space<hbm>>, %arg10: memref<640xf32, #tpu.memory_space<hbm>>, %arg11: memref<10240x128xf32, #tpu.memory_space<hbm>>, %arg12: memref<10240x128xf32, #tpu.memory_space<hbm>>, %arg13: memref<10240xf32, #tpu.memory_space<hbm>>, %arg14: memref<10240xf32, #tpu.memory_space<hbm>>, %arg15: memref<10240xf32, #tpu.memory_space<vmem>>, %arg16: memref<10240xf32, #tpu.memory_space<vmem>>, %arg17: memref<20x512xi32, #tpu.memory_space<vmem>>, %arg18: memref<20x512xi32, #tpu.memory_space<vmem>>, %arg19: memref<20x512xi32, #tpu.memory_space<vmem>>, %arg20: memref<20x512xf32, #tpu.memory_space<vmem>>, %arg21: memref<2x512x16xf32, #tpu.memory_space<vmem>>, %arg22: memref<384xf32, #tpu.memory_space<vmem>>, %arg23: memref<10240x16xf32, #tpu.memory_space<vmem_shared>>, %arg24: memref<10240xf32, #tpu.memory_space<vmem_shared>>, %arg25: memref<!tpu.dma_semaphore, #tpu.memory_space<semaphore_mem>>, %arg26: memref<!tpu.dma_semaphore, #tpu.memory_space<semaphore_mem>>) attributes {dimension_semantics = [#tpu.dimension_semantics<core_parallel>, #tpu.dimension_semantics<subcore_parallel>], iteration_bounds = array<i64: 2, 16>, scalar_prefetch = 0 : i64, scratch_operands = 12 : i64, tpu.core_type = #tpu.core_type<sc_vector_subcore>, window_params = [{transform_indices = #map}, {transform_indices = #map1}, {transform_indices = #map1}, {transform_indices = #map1}, {transform_indices = #map2}, {transform_indices = #map2}, {transform_indices = #map2}, {transform_indices = #map}, {transform_indices = #map1}, {transform_indices = #map}, {transform_indices = #map}, {transform_indices = #map1}, {transform_indices = #map1}]} {
    %mul3A = arith.constant 16 : i32
    %mul3A_0 = arith.muli %arg0, %mul3A : i32
    %add3A = arith.addi %mul3A_0, %arg1 : i32
    "tpu.region"() ({
      %run_scoped3A = tpu.sem_alloc : memref<!tpu.dma_semaphore, #tpu.memory_space<semaphore_mem>>
      tpu.enqueue_dma source(%arg3 : memref<10240xf32, #tpu.memory_space<hbm>>) target(%arg15 : memref<10240xf32, #tpu.memory_space<vmem>>) target_semaphore(%run_scoped3A : memref<!tpu.dma_semaphore, #tpu.memory_space<semaphore_mem>>)
      tpu.wait_dma2 semaphore(%run_scoped3A : memref<!tpu.dma_semaphore, #tpu.memory_space<semaphore_mem>>) src(%arg3 : memref<10240xf32, #tpu.memory_space<hbm>>) dst(%arg15 : memref<10240xf32, #tpu.memory_space<vmem>>)
      tpu.yield
    }) : () -> ()
    "tpu.region"() ({
      %run_scoped3A = tpu.sem_alloc : memref<!tpu.dma_semaphore, #tpu.memory_space<semaphore_mem>>
      tpu.enqueue_dma source(%arg4 : memref<10240xf32, #tpu.memory_space<hbm>>) target(%arg16 : memref<10240xf32, #tpu.memory_space<vmem>>) target_semaphore(%run_scoped3A : memref<!tpu.dma_semaphore, #tpu.memory_space<semaphore_mem>>)
      tpu.wait_dma2 semaphore(%run_scoped3A : memref<!tpu.dma_semaphore, #tpu.memory_space<semaphore_mem>>) src(%arg4 : memref<10240xf32, #tpu.memory_space<hbm>>) dst(%arg16 : memref<10240xf32, #tpu.memory_space<vmem>>)
      tpu.yield
    }) : () -> ()
    "tpu.region"() ({
      %run_scoped3A = tpu.sem_alloc : memref<!tpu.dma_semaphore, #tpu.memory_space<semaphore_mem>>
      %dma_start3A = arith.constant 0 : i32
      %dma_start3A_34 = arith.constant 0 : i32
      %dma_start3A_35 = tpu.memref_slice %arg7[%add3A, %dma_start3A, %dma_start3A_34] : memref<32x20x512xi32, #tpu.memory_space<hbm>> -> memref<1x20x512xi32, #tpu.memory_space<hbm>>
      %dma_start3A_36 = tpu.memref_squeeze %dma_start3A_35 : memref<1x20x512xi32, #tpu.memory_space<hbm>> -> memref<20x512xi32, #tpu.memory_space<hbm>>
      %dma_start3A_37 = arith.constant 0 : i32
      %dma_start3A_38 = arith.constant 0 : i32
      %dma_start3A_39 = tpu.memref_slice %arg7[%add3A, %dma_start3A_37, %dma_start3A_38] : memref<32x20x512xi32, #tpu.memory_space<hbm>> -> memref<1x20x512xi32, #tpu.memory_space<hbm>>
      %dma_start3A_40 = tpu.memref_squeeze %dma_start3A_39 : memref<1x20x512xi32, #tpu.memory_space<hbm>> -> memref<20x512xi32, #tpu.memory_space<hbm>>
      tpu.enqueue_dma source(%dma_start3A_40 : memref<20x512xi32, #tpu.memory_space<hbm>>) target(%arg17 : memref<20x512xi32, #tpu.memory_space<vmem>>) target_semaphore(%run_scoped3A : memref<!tpu.dma_semaphore, #tpu.memory_space<semaphore_mem>>)
      %dma_wait3A = arith.constant 0 : i32
      %dma_wait3A_41 = arith.constant 0 : i32
      %dma_wait3A_42 = tpu.memref_slice %arg7[%add3A, %dma_wait3A, %dma_wait3A_41] : memref<32x20x512xi32, #tpu.memory_space<hbm>> -> memref<1x20x512xi32, #tpu.memory_space<hbm>>
      %dma_wait3A_43 = tpu.memref_squeeze %dma_wait3A_42 : memref<1x20x512xi32, #tpu.memory_space<hbm>> -> memref<20x512xi32, #tpu.memory_space<hbm>>
      %dma_wait3A_44 = arith.constant 0 : i32
      %dma_wait3A_45 = arith.constant 0 : i32
      %dma_wait3A_46 = tpu.memref_slice %arg7[%add3A, %dma_wait3A_44, %dma_wait3A_45] : memref<32x20x512xi32, #tpu.memory_space<hbm>> -> memref<1x20x512xi32, #tpu.memory_space<hbm>>
      %dma_wait3A_47 = tpu.memref_squeeze %dma_wait3A_46 : memref<1x20x512xi32, #tpu.memory_space<hbm>> -> memref<20x512xi32, #tpu.memory_space<hbm>>
      tpu.wait_dma2 semaphore(%run_scoped3A : memref<!tpu.dma_semaphore, #tpu.memory_space<semaphore_mem>>) src(%dma_wait3A_47 : memref<20x512xi32, #tpu.memory_space<hbm>>) dst(%arg17 : memref<20x512xi32, #tpu.memory_space<vmem>>)
      tpu.yield
    }) : () -> ()
    "tpu.region"() ({
      %run_scoped3A = tpu.sem_alloc : memref<!tpu.dma_semaphore, #tpu.memory_space<semaphore_mem>>
      %dma_start3A = arith.constant 0 : i32
      %dma_start3A_34 = arith.constant 0 : i32
      %dma_start3A_35 = tpu.memref_slice %arg8[%add3A, %dma_start3A, %dma_start3A_34] : memref<32x20x512xi32, #tpu.memory_space<hbm>> -> memref<1x20x512xi32, #tpu.memory_space<hbm>>
      %dma_start3A_36 = tpu.memref_squeeze %dma_start3A_35 : memref<1x20x512xi32, #tpu.memory_space<hbm>> -> memref<20x512xi32, #tpu.memory_space<hbm>>
      %dma_start3A_37 = arith.constant 0 : i32
      %dma_start3A_38 = arith.constant 0 : i32
      %dma_start3A_39 = tpu.memref_slice %arg8[%add3A, %dma_start3A_37, %dma_start3A_38] : memref<32x20x512xi32, #tpu.memory_space<hbm>> -> memref<1x20x512xi32, #tpu.memory_space<hbm>>
      %dma_start3A_40 = tpu.memref_squeeze %dma_start3A_39 : memref<1x20x512xi32, #tpu.memory_space<hbm>> -> memref<20x512xi32, #tpu.memory_space<hbm>>
      tpu.enqueue_dma source(%dma_start3A_40 : memref<20x512xi32, #tpu.memory_space<hbm>>) target(%arg19 : memref<20x512xi32, #tpu.memory_space<vmem>>) target_semaphore(%run_scoped3A : memref<!tpu.dma_semaphore, #tpu.memory_space<semaphore_mem>>)
      %dma_wait3A = arith.constant 0 : i32
      %dma_wait3A_41 = arith.constant 0 : i32
      %dma_wait3A_42 = tpu.memref_slice %arg8[%add3A, %dma_wait3A, %dma_wait3A_41] : memref<32x20x512xi32, #tpu.memory_space<hbm>> -> memref<1x20x512xi32, #tpu.memory_space<hbm>>
      %dma_wait3A_43 = tpu.memref_squeeze %dma_wait3A_42 : memref<1x20x512xi32, #tpu.memory_space<hbm>> -> memref<20x512xi32, #tpu.memory_space<hbm>>
      %dma_wait3A_44 = arith.constant 0 : i32
      %dma_wait3A_45 = arith.constant 0 : i32
      %dma_wait3A_46 = tpu.memref_slice %arg8[%add3A, %dma_wait3A_44, %dma_wait3A_45] : memref<32x20x512xi32, #tpu.memory_space<hbm>> -> memref<1x20x512xi32, #tpu.memory_space<hbm>>
      %dma_wait3A_47 = tpu.memref_squeeze %dma_wait3A_46 : memref<1x20x512xi32, #tpu.memory_space<hbm>> -> memref<20x512xi32, #tpu.memory_space<hbm>>
      tpu.wait_dma2 semaphore(%run_scoped3A : memref<!tpu.dma_semaphore, #tpu.memory_space<semaphore_mem>>) src(%dma_wait3A_47 : memref<20x512xi32, #tpu.memory_space<hbm>>) dst(%arg19 : memref<20x512xi32, #tpu.memory_space<vmem>>)
      tpu.yield
    }) : () -> ()
    "tpu.region"() ({
      %run_scoped3A = tpu.sem_alloc : memref<!tpu.dma_semaphore, #tpu.memory_space<semaphore_mem>>
      %dma_start3A = arith.constant 0 : i32
      %dma_start3A_34 = arith.constant 0 : i32
      %dma_start3A_35 = tpu.memref_slice %arg6[%add3A, %dma_start3A, %dma_start3A_34] : memref<32x20x512xf32, #tpu.memory_space<hbm>> -> memref<1x20x512xf32, #tpu.memory_space<hbm>>
      %dma_start3A_36 = tpu.memref_squeeze %dma_start3A_35 : memref<1x20x512xf32, #tpu.memory_space<hbm>> -> memref<20x512xf32, #tpu.memory_space<hbm>>
      %dma_start3A_37 = arith.constant 0 : i32
      %dma_start3A_38 = arith.constant 0 : i32
      %dma_start3A_39 = tpu.memref_slice %arg6[%add3A, %dma_start3A_37, %dma_start3A_38] : memref<32x20x512xf32, #tpu.memory_space<hbm>> -> memref<1x20x512xf32, #tpu.memory_space<hbm>>
      %dma_start3A_40 = tpu.memref_squeeze %dma_start3A_39 : memref<1x20x512xf32, #tpu.memory_space<hbm>> -> memref<20x512xf32, #tpu.memory_space<hbm>>
      tpu.enqueue_dma source(%dma_start3A_40 : memref<20x512xf32, #tpu.memory_space<hbm>>) target(%arg20 : memref<20x512xf32, #tpu.memory_space<vmem>>) target_semaphore(%run_scoped3A : memref<!tpu.dma_semaphore, #tpu.memory_space<semaphore_mem>>)
      %dma_wait3A = arith.constant 0 : i32
      %dma_wait3A_41 = arith.constant 0 : i32
      %dma_wait3A_42 = tpu.memref_slice %arg6[%add3A, %dma_wait3A, %dma_wait3A_41] : memref<32x20x512xf32, #tpu.memory_space<hbm>> -> memref<1x20x512xf32, #tpu.memory_space<hbm>>
      %dma_wait3A_43 = tpu.memref_squeeze %dma_wait3A_42 : memref<1x20x512xf32, #tpu.memory_space<hbm>> -> memref<20x512xf32, #tpu.memory_space<hbm>>
      %dma_wait3A_44 = arith.constant 0 : i32
      %dma_wait3A_45 = arith.constant 0 : i32
      %dma_wait3A_46 = tpu.memref_slice %arg6[%add3A, %dma_wait3A_44, %dma_wait3A_45] : memref<32x20x512xf32, #tpu.memory_space<hbm>> -> memref<1x20x512xf32, #tpu.memory_space<hbm>>
      %dma_wait3A_47 = tpu.memref_squeeze %dma_wait3A_46 : memref<1x20x512xf32, #tpu.memory_space<hbm>> -> memref<20x512xf32, #tpu.memory_space<hbm>>
      tpu.wait_dma2 semaphore(%run_scoped3A : memref<!tpu.dma_semaphore, #tpu.memory_space<semaphore_mem>>) src(%dma_wait3A_47 : memref<20x512xf32, #tpu.memory_space<hbm>>) dst(%arg20 : memref<20x512xf32, #tpu.memory_space<vmem>>)
      tpu.yield
    }) : () -> ()
    "tpu.region"() ({
      %run_scoped3A = tpu.sem_alloc : memref<!tpu.dma_semaphore, #tpu.memory_space<semaphore_mem>>
      tpu.enqueue_dma source(%arg5 : memref<384xf32, #tpu.memory_space<hbm>>) target(%arg22 : memref<384xf32, #tpu.memory_space<vmem>>) target_semaphore(%run_scoped3A : memref<!tpu.dma_semaphore, #tpu.memory_space<semaphore_mem>>)
      tpu.wait_dma2 semaphore(%run_scoped3A : memref<!tpu.dma_semaphore, #tpu.memory_space<semaphore_mem>>) src(%arg5 : memref<384xf32, #tpu.memory_space<hbm>>) dst(%arg22 : memref<384xf32, #tpu.memory_space<vmem>>)
      tpu.yield
    }) : () -> ()
    %mul3A_1 = arith.constant 640 : i32
    %mul3A_2 = arith.muli %arg1, %mul3A_1 : i32
    "tpu.region"() ({
      %run_scoped3A = tpu.sem_alloc : memref<!tpu.dma_semaphore, #tpu.memory_space<semaphore_mem>>
      %dma_start3A = tpu.memref_slice %arg24[%mul3A_2] : memref<10240xf32, #tpu.memory_space<vmem_shared>> -> memref<640xf32, #tpu.memory_space<vmem_shared>>
      tpu.enqueue_dma source(%arg10 : memref<640xf32, #tpu.memory_space<hbm>>) target(%dma_start3A : memref<640xf32, #tpu.memory_space<vmem_shared>>) target_semaphore(%run_scoped3A : memref<!tpu.dma_semaphore, #tpu.memory_space<semaphore_mem>>)
      %dma_wait3A = tpu.memref_slice %arg24[%mul3A_2] : memref<10240xf32, #tpu.memory_space<vmem_shared>> -> memref<640xf32, #tpu.memory_space<vmem_shared>>
      tpu.wait_dma2 semaphore(%run_scoped3A : memref<!tpu.dma_semaphore, #tpu.memory_space<semaphore_mem>>) src(%arg10 : memref<640xf32, #tpu.memory_space<hbm>>) dst(%dma_wait3A : memref<640xf32, #tpu.memory_space<vmem_shared>>)
      tpu.yield
    }) : () -> ()
    %barrier3A = arith.constant 0 : index
    tpu.barrier barrier_id(%barrier3A)
    %get3A = arith.constant 0 : index
    %get3A_3 = tpu.vector_load %arg22[%get3A] {strides = array<i32>} : memref<384xf32, #tpu.memory_space<vmem>>, vector<16xf32>,
    %get3A_4 = arith.constant 128 : index
    %get3A_5 = tpu.vector_load %arg22[%get3A_4] {strides = array<i32>} : memref<384xf32, #tpu.memory_space<vmem>>, vector<16xf32>,
    %add3A_6 = arith.addf %get3A_3, %get3A_5 : vector<16xf32>
    %get3A_7 = arith.constant 256 : index
    %get3A_8 = tpu.vector_load %arg22[%get3A_7] {strides = array<i32>} : memref<384xf32, #tpu.memory_space<vmem>>, vector<16xf32>,
    %add3A_9 = arith.addf %add3A_6, %get3A_8 : vector<16xf32>
    %scan3A = arith.constant 0 : i32
    %scan3A_10 = arith.constant 20 : i32
    %scan3A_11 = arith.addi %scan3A, %scan3A_10 : i32
    %scan3A_12 = arith.constant 1 : i32
    scf.for %scan3A_34 = %scan3A to %scan3A_11 step %scan3A_12  : i32 {
      %mul3A_35 = arith.constant 1 : i32
      %mul3A_36 = arith.muli %scan3A_34, %mul3A_35 : i32
      %add3A_37 = arith.constant 0 : i32
      %add3A_38 = arith.addi %add3A_37, %mul3A_36 : i32
      %scan3A_39 = arith.constant 0 : i32
      %scan3A_40 = arith.constant 32 : i32
      %scan3A_41 = arith.addi %scan3A_39, %scan3A_40 : i32
      %scan3A_42 = arith.constant 1 : i32
      scf.for %scan3A_44 = %scan3A_39 to %scan3A_41 step %scan3A_42  : i32 {
        %mul3A_45 = arith.constant 1 : i32
        %mul3A_46 = arith.muli %scan3A_44, %mul3A_45 : i32
        %add3A_47 = arith.constant 0 : i32
        %add3A_48 = arith.addi %add3A_47, %mul3A_46 : i32
        %mul3A_49 = arith.constant 16 : i32
        %mul3A_50 = arith.muli %add3A_48, %mul3A_49 : i32
        %get3A_51 = arith.index_cast %add3A_38 : i32 to index
        %get3A_52 = arith.index_cast %mul3A_50 : i32 to index
        %get3A_53 = tpu.vector_load %arg19[%get3A_51, %get3A_52] {strides = array<i32>} : memref<20x512xi32, #tpu.memory_space<vmem>>, vector<16xi32>,
        %get3A_54 = arith.index_cast %add3A_38 : i32 to index
        %get3A_55 = arith.index_cast %mul3A_50 : i32 to index
        %get3A_56 = tpu.vector_load %arg17[%get3A_54, %get3A_55] {strides = array<i32>} : memref<20x512xi32, #tpu.memory_space<vmem>>, vector<16xi32>,
        %gather3A = tpu.vector_load_idx %arg15[%get3A_53] : memref<10240xf32, #tpu.memory_space<vmem>>[vector<16xi32>], vector<16xf32>,
        %gather3A_57 = tpu.vector_load_idx %arg16[%get3A_56] : memref<10240xf32, #tpu.memory_space<vmem>>[vector<16xi32>], vector<16xf32>,
        %add3A_58 = arith.addf %gather3A, %gather3A_57 : vector<16xf32>
        %get3A_59 = arith.index_cast %add3A_38 : i32 to index
        %get3A_60 = arith.index_cast %mul3A_50 : i32 to index
        %get3A_61 = tpu.vector_load %arg20[%get3A_59, %get3A_60] {strides = array<i32>} : memref<20x512xf32, #tpu.memory_space<vmem>>, vector<16xf32>,
        %add3A_62 = arith.addf %add3A_58, %get3A_61 : vector<16xf32>
        %gt3A = arith.constant 0.000000e+00 : f32
        %gt3A_63 = vector.broadcast %gt3A : f32 to vector<16xf32>
        %gt3A_64 = arith.cmpf ogt, %add3A_62, %gt3A_63 : vector<16xf32>
        %mul3A_65 = arith.constant 2.000000e-01 : f32
        %mul3A_66 = vector.broadcast %mul3A_65 : f32 to vector<16xf32>
        %mul3A_67 = arith.mulf %add3A_62, %mul3A_66 : vector<16xf32>
        %select_n3A = arith.select %gt3A_64, %add3A_62, %mul3A_67 : vector<16xi1>, vector<16xf32>
        %sub3A = arith.subf %select_n3A, %add3A_9 : vector<16xf32>
        %exp3A = math.exp %sub3A : vector<16xf32>
        %swap3A = arith.index_cast %add3A_38 : i32 to index
        %swap3A_68 = arith.index_cast %mul3A_50 : i32 to index
        %swap3A_69 = tpu.vector_load %arg20[%swap3A, %swap3A_68] {strides = array<i32>} : memref<20x512xf32, #tpu.memory_space<vmem>>, vector<16xf32>,
        tpu.vector_store %arg20[%swap3A, %swap3A_68], %exp3A {strides = array<i32>} : memref<20x512xf32, #tpu.memory_space<vmem>>, vector<16xf32>,
      }
      %scan3A_43 = arith.constant 32 : i32
    }
    %scan3A_13 = arith.constant 20 : i32
    %scan3A_14 = arith.constant 0 : i32
    %scan3A_15 = arith.constant 20 : i32
    %scan3A_16 = arith.addi %scan3A_14, %scan3A_15 : i32
    %scan3A_17 = arith.constant 1 : i32
    scf.for %scan3A_34 = %scan3A_14 to %scan3A_16 step %scan3A_17  : i32 {
      %mul3A_35 = arith.constant 1 : i32
      %mul3A_36 = arith.muli %scan3A_34, %mul3A_35 : i32
      %add3A_37 = arith.constant 0 : i32
      %add3A_38 = arith.addi %add3A_37, %mul3A_36 : i32
      "tpu.region"() ({
        %run_scoped3A = tpu.sem_alloc : memref<!tpu.dma_semaphore, #tpu.memory_space<semaphore_mem>>
        %dma_start3A = arith.constant 0 : i32
        %dma_start3A_39 = tpu.memref_slice %arg20[%add3A_38, %dma_start3A] : memref<20x512xf32, #tpu.memory_space<vmem>> -> memref<1x512xf32, #tpu.memory_space<vmem>>
        %dma_start3A_40 = tpu.memref_squeeze %dma_start3A_39 : memref<1x512xf32, #tpu.memory_space<vmem>> -> memref<512xf32, #tpu.memory_space<vmem>>
        %dma_start3A_41 = arith.constant 0 : i32
        %dma_start3A_42 = tpu.memref_slice %arg19[%add3A_38, %dma_start3A_41] : memref<20x512xi32, #tpu.memory_space<vmem>> -> memref<1x512xi32, #tpu.memory_space<vmem>>
        %dma_start3A_43 = tpu.memref_squeeze %dma_start3A_42 : memref<1x512xi32, #tpu.memory_space<vmem>> -> memref<512xi32, #tpu.memory_space<vmem>>
        %dma_start3A_44 = arith.constant 0 : i32
        %dma_start3A_45 = tpu.memref_slice %arg24[%dma_start3A_44] : memref<10240xf32, #tpu.memory_space<vmem_shared>> -> memref<10240xf32, #tpu.memory_space<vmem_shared>>
        tpu.enqueue_indirect_dma source(%dma_start3A_40 : memref<512xf32, #tpu.memory_space<vmem>>) target(%dma_start3A_45 : memref<10240xf32, #tpu.memory_space<vmem_shared>>) offsets(%dma_start3A_43 : memref<512xi32, #tpu.memory_space<vmem>>) semaphore(%run_scoped3A : memref<!tpu.dma_semaphore, #tpu.memory_space<semaphore_mem>>) {add = true}
        %dma_wait3A = arith.constant 0 : i32
        %dma_wait3A_46 = tpu.memref_slice %arg20[%add3A_38, %dma_wait3A] : memref<20x512xf32, #tpu.memory_space<vmem>> -> memref<1x512xf32, #tpu.memory_space<vmem>>
        %dma_wait3A_47 = tpu.memref_squeeze %dma_wait3A_46 : memref<1x512xf32, #tpu.memory_space<vmem>> -> memref<512xf32, #tpu.memory_space<vmem>>
        %dma_wait3A_48 = arith.constant 0 : i32
        %dma_wait3A_49 = tpu.memref_slice %arg19[%add3A_38, %dma_wait3A_48] : memref<20x512xi32, #tpu.memory_space<vmem>> -> memref<1x512xi32, #tpu.memory_space<vmem>>
        %dma_wait3A_50 = tpu.memref_squeeze %dma_wait3A_49 : memref<1x512xi32, #tpu.memory_space<vmem>> -> memref<512xi32, #tpu.memory_space<vmem>>
        %dma_wait3A_51 = arith.constant 0 : i32
        %dma_wait3A_52 = tpu.memref_slice %arg24[%dma_wait3A_51] : memref<10240xf32, #tpu.memory_space<vmem_shared>> -> memref<10240xf32, #tpu.memory_space<vmem_shared>>
        tpu.wait_indirect_dma semaphore(%run_scoped3A : memref<!tpu.dma_semaphore, #tpu.memory_space<semaphore_mem>>) src(%dma_wait3A_47 : memref<512xf32, #tpu.memory_space<vmem>>) dst(%dma_wait3A_52 : memref<10240xf32, #tpu.memory_space<vmem_shared>>)
        tpu.yield
      }) : () -> ()
    }
    %scan3A_18 = arith.constant 20 : i32
    %barrier3A_19 = arith.constant 0 : index
    tpu.barrier barrier_id(%barrier3A_19)
    %mul3A_20 = arith.constant 640 : i32
    %mul3A_21 = arith.muli %arg1, %mul3A_20 : i32
    %eq3A = arith.constant 0 : i32
    %eq3A_22 = arith.cmpi eq, %arg0, %eq3A : i32
    %convert_element_type3A = arith.extui %eq3A_22 : i1 to i32
    %cond3A = arith.constant 0 : i32
    %cond3A_23 = arith.cmpi ne, %convert_element_type3A, %cond3A : i32
    scf.if %cond3A_23 {
      "tpu.region"() ({
        %run_scoped3A = tpu.sem_alloc : memref<!tpu.dma_semaphore, #tpu.memory_space<semaphore_mem>>
        %dma_start3A = tpu.memref_slice %arg13[%mul3A_21] : memref<10240xf32, #tpu.memory_space<hbm>> -> memref<640xf32, #tpu.memory_space<hbm>>
        %dma_start3A_34 = tpu.memref_slice %arg24[%mul3A_21] : memref<10240xf32, #tpu.memory_space<vmem_shared>> -> memref<640xf32, #tpu.memory_space<vmem_shared>>
        tpu.enqueue_dma source(%dma_start3A_34 : memref<640xf32, #tpu.memory_space<vmem_shared>>) target(%dma_start3A : memref<640xf32, #tpu.memory_space<hbm>>) target_semaphore(%run_scoped3A : memref<!tpu.dma_semaphore, #tpu.memory_space<semaphore_mem>>)
        %dma_wait3A = tpu.memref_slice %arg13[%mul3A_21] : memref<10240xf32, #tpu.memory_space<hbm>> -> memref<640xf32, #tpu.memory_space<hbm>>
        %dma_wait3A_35 = tpu.memref_slice %arg24[%mul3A_21] : memref<10240xf32, #tpu.memory_space<vmem_shared>> -> memref<640xf32, #tpu.memory_space<vmem_shared>>
        tpu.wait_dma2 semaphore(%run_scoped3A : memref<!tpu.dma_semaphore, #tpu.memory_space<semaphore_mem>>) src(%dma_wait3A_35 : memref<640xf32, #tpu.memory_space<vmem_shared>>) dst(%dma_wait3A : memref<640xf32, #tpu.memory_space<hbm>>)
        tpu.yield
      }) : () -> ()
    } else {
    }
    %eq3A_24 = arith.constant 1 : i32
    %eq3A_25 = arith.cmpi eq, %arg0, %eq3A_24 : i32
    %convert_element_type3A_26 = arith.extui %eq3A_25 : i1 to i32
    %cond3A_27 = arith.constant 0 : i32
    %cond3A_28 = arith.cmpi ne, %convert_element_type3A_26, %cond3A_27 : i32
    scf.if %cond3A_28 {
      "tpu.region"() ({
        %run_scoped3A = tpu.sem_alloc : memref<!tpu.dma_semaphore, #tpu.memory_space<semaphore_mem>>
        %dma_start3A = tpu.memref_slice %arg14[%mul3A_21] : memref<10240xf32, #tpu.memory_space<hbm>> -> memref<640xf32, #tpu.memory_space<hbm>>
        %dma_start3A_34 = tpu.memref_slice %arg24[%mul3A_21] : memref<10240xf32, #tpu.memory_space<vmem_shared>> -> memref<640xf32, #tpu.memory_space<vmem_shared>>
        tpu.enqueue_dma source(%dma_start3A_34 : memref<640xf32, #tpu.memory_space<vmem_shared>>) target(%dma_start3A : memref<640xf32, #tpu.memory_space<hbm>>) target_semaphore(%run_scoped3A : memref<!tpu.dma_semaphore, #tpu.memory_space<semaphore_mem>>)
        %dma_wait3A = tpu.memref_slice %arg14[%mul3A_21] : memref<10240xf32, #tpu.memory_space<hbm>> -> memref<640xf32, #tpu.memory_space<hbm>>
        %dma_wait3A_35 = tpu.memref_slice %arg24[%mul3A_21] : memref<10240xf32, #tpu.memory_space<vmem_shared>> -> memref<640xf32, #tpu.memory_space<vmem_shared>>
        tpu.wait_dma2 semaphore(%run_scoped3A : memref<!tpu.dma_semaphore, #tpu.memory_space<semaphore_mem>>) src(%dma_wait3A_35 : memref<640xf32, #tpu.memory_space<vmem_shared>>) dst(%dma_wait3A : memref<640xf32, #tpu.memory_space<hbm>>)
        tpu.yield
      }) : () -> ()
    } else {
    }
    %scan3A_29 = arith.constant 0 : i32
    %scan3A_30 = arith.constant 8 : i32
    %scan3A_31 = arith.addi %scan3A_29, %scan3A_30 : i32
    %scan3A_32 = arith.constant 1 : i32
    scf.for %scan3A_34 = %scan3A_29 to %scan3A_31 step %scan3A_32  : i32 {
      %mul3A_35 = arith.constant 1 : i32
      %mul3A_36 = arith.muli %scan3A_34, %mul3A_35 : i32
      %add3A_37 = arith.constant 0 : i32
      %add3A_38 = arith.addi %add3A_37, %mul3A_36 : i32
      %scan3A_39 = arith.constant 0 : i32
      %scan3A_40 = arith.constant 20 : i32
      %scan3A_41 = arith.addi %scan3A_39, %scan3A_40 : i32
      %scan3A_42 = arith.constant 1 : i32
      scf.for %scan3A_78 = %scan3A_39 to %scan3A_41 step %scan3A_42  : i32 {
        %mul3A_79 = arith.constant 1 : i32
        %mul3A_80 = arith.muli %scan3A_78, %mul3A_79 : i32
        %add3A_81 = arith.constant 0 : i32
        %add3A_82 = arith.addi %add3A_81, %mul3A_80 : i32
        %scan3A_83 = arith.constant 0 : i32
        %scan3A_84 = arith.constant 32 : i32
        %scan3A_85 = arith.addi %scan3A_83, %scan3A_84 : i32
        %scan3A_86 = arith.constant 1 : i32
        scf.for %scan3A_88 = %scan3A_83 to %scan3A_85 step %scan3A_86  : i32 {
          %mul3A_89 = arith.constant 1 : i32
          %mul3A_90 = arith.muli %scan3A_88, %mul3A_89 : i32
          %add3A_91 = arith.constant 0 : i32
          %add3A_92 = arith.addi %add3A_91, %mul3A_90 : i32
          %mul3A_93 = arith.constant 16 : i32
          %mul3A_94 = arith.muli %add3A_92, %mul3A_93 : i32
          %get3A_95 = arith.index_cast %add3A_82 : i32 to index
          %get3A_96 = arith.index_cast %mul3A_94 : i32 to index
          %get3A_97 = tpu.vector_load %arg17[%get3A_95, %get3A_96] {strides = array<i32>} : memref<20x512xi32, #tpu.memory_space<vmem>>, vector<16xi32>,
          %mul3A_98 = arith.constant 8 : i32
          %mul3A_99 = vector.broadcast %mul3A_98 : i32 to vector<16xi32>
          %mul3A_100 = arith.muli %get3A_97, %mul3A_99 : vector<16xi32>
          %add3A_101 = vector.broadcast %add3A_38 : i32 to vector<16xi32>
          %add3A_102 = arith.addi %mul3A_100, %add3A_101 : vector<16xi32>
          %swap3A = arith.index_cast %add3A_82 : i32 to index
          %swap3A_103 = arith.index_cast %mul3A_94 : i32 to index
          %swap3A_104 = tpu.vector_load %arg18[%swap3A, %swap3A_103] {strides = array<i32>} : memref<20x512xi32, #tpu.memory_space<vmem>>, vector<16xi32>,
          tpu.vector_store %arg18[%swap3A, %swap3A_103], %add3A_102 {strides = array<i32>} : memref<20x512xi32, #tpu.memory_space<vmem>>, vector<16xi32>,
        }
        %scan3A_87 = arith.constant 32 : i32
      }
      %scan3A_43 = arith.constant 20 : i32
      %mul3A_44 = arith.constant 640 : i32
      %mul3A_45 = arith.muli %arg1, %mul3A_44 : i32
      "tpu.region"() ({
        %run_scoped3A = tpu.sem_alloc : memref<!tpu.dma_semaphore, #tpu.memory_space<semaphore_mem>>
        %dma_start3A_78 = arith.constant 0 : i32
        %dma_start3A_79 = tpu.memref_slice %arg23[%mul3A_45, %dma_start3A_78] : memref<10240x16xf32, #tpu.memory_space<vmem_shared>> -> memref<640x16xf32, #tpu.memory_space<vmem_shared>>
        tpu.enqueue_dma source(%arg9 : memref<640x16xf32, #tpu.memory_space<hbm>>) target(%dma_start3A_79 : memref<640x16xf32, #tpu.memory_space<vmem_shared>>) target_semaphore(%run_scoped3A : memref<!tpu.dma_semaphore, #tpu.memory_space<semaphore_mem>>)
        %dma_wait3A = arith.constant 0 : i32
        %dma_wait3A_80 = tpu.memref_slice %arg23[%mul3A_45, %dma_wait3A] : memref<10240x16xf32, #tpu.memory_space<vmem_shared>> -> memref<640x16xf32, #tpu.memory_space<vmem_shared>>
        tpu.wait_dma2 semaphore(%run_scoped3A : memref<!tpu.dma_semaphore, #tpu.memory_space<semaphore_mem>>) src(%arg9 : memref<640x16xf32, #tpu.memory_space<hbm>>) dst(%dma_wait3A_80 : memref<640x16xf32, #tpu.memory_space<vmem_shared>>)
        tpu.yield
      }) : () -> ()
      %barrier3A_46 = arith.constant 0 : index
      tpu.barrier barrier_id(%barrier3A_46)
      %dma_start3A = arith.constant 0 : i32
      %dma_start3A_47 = arith.constant 0 : i32
      %dma_start3A_48 = arith.constant 0 : i32
      %dma_start3A_49 = arith.constant 0 : i32
      %dma_start3A_50 = tpu.memref_slice %arg21[%dma_start3A_47, %dma_start3A_48, %dma_start3A_49] : memref<2x512x16xf32, #tpu.memory_space<vmem>> -> memref<1x512x16xf32, #tpu.memory_space<vmem>>
      %dma_start3A_51 = tpu.memref_squeeze %dma_start3A_50 : memref<1x512x16xf32, #tpu.memory_space<vmem>> -> memref<512x16xf32, #tpu.memory_space<vmem>>
      %dma_start3A_52 = arith.constant 0 : i32
      %dma_start3A_53 = tpu.memref_slice %arg18[%dma_start3A, %dma_start3A_52] : memref<20x512xi32, #tpu.memory_space<vmem>> -> memref<1x512xi32, #tpu.memory_space<vmem>>
      %dma_start3A_54 = tpu.memref_squeeze %dma_start3A_53 : memref<1x512xi32, #tpu.memory_space<vmem>> -> memref<512xi32, #tpu.memory_space<vmem>>
      %dma_start3A_55 = arith.constant 0 : i32
      %dma_start3A_56 = arith.constant 0 : i32
      %dma_start3A_57 = tpu.memref_slice %arg2[%dma_start3A_55, %dma_start3A_56] : memref<81920x16xf32, #tpu.memory_space<hbm>> -> memref<81920x16xf32, #tpu.memory_space<hbm>>
      tpu.enqueue_indirect_dma source(%dma_start3A_57 : memref<81920x16xf32, #tpu.memory_space<hbm>>) target(%dma_start3A_51 : memref<512x16xf32, #tpu.memory_space<vmem>>) offsets(%dma_start3A_54 : memref<512xi32, #tpu.memory_space<vmem>>) semaphore(%arg25 : memref<!tpu.dma_semaphore, #tpu.memory_space<semaphore_mem>>)
      %scan3A_58 = arith.constant 0 : i32
      %scan3A_59 = arith.constant 0 : i32
      %scan3A_60 = arith.constant 10 : i32
      %scan3A_61 = arith.addi %scan3A_59, %scan3A_60 : i32
      %scan3A_62 = arith.constant 1 : i32
      %scan3A_63 = scf.for %scan3A_78 = %scan3A_59 to %scan3A_61 step %scan3A_62 iter_args(%scan3A_79 = %scan3A_58) -> (i32)  : i32 {
        %mul3A_80 = arith.constant 2 : i32
        %mul3A_81 = arith.muli %scan3A_78, %mul3A_80 : i32
        %add3A_82 = arith.constant 0 : i32
        %add3A_83 = arith.addi %mul3A_81, %add3A_82 : i32
        %add3A_84 = arith.constant 1 : i32
        %add3A_85 = arith.addi %add3A_83, %add3A_84 : i32
        %lt3A = arith.constant 20 : i32
        %lt3A_86 = arith.cmpi slt, %add3A_85, %lt3A : i32
        %convert_element_type3A_87 = arith.extui %lt3A_86 : i1 to i32
        %cond3A_88 = arith.constant 0 : i32
        %cond3A_89 = arith.cmpi ne, %convert_element_type3A_87, %cond3A_88 : i32
        scf.if %cond3A_89 {
          %add3A_134 = arith.constant 1 : i32
          %add3A_135 = arith.addi %add3A_83, %add3A_134 : i32
          %dma_start3A_136 = arith.constant 1 : i32
          %dma_start3A_137 = arith.constant 0 : i32
          %dma_start3A_138 = arith.constant 0 : i32
          %dma_start3A_139 = tpu.memref_slice %arg21[%dma_start3A_136, %dma_start3A_137, %dma_start3A_138] : memref<2x512x16xf32, #tpu.memory_space<vmem>> -> memref<1x512x16xf32, #tpu.memory_space<vmem>>
          %dma_start3A_140 = tpu.memref_squeeze %dma_start3A_139 : memref<1x512x16xf32, #tpu.memory_space<vmem>> -> memref<512x16xf32, #tpu.memory_space<vmem>>
          %dma_start3A_141 = arith.constant 0 : i32
          %dma_start3A_142 = tpu.memref_slice %arg18[%add3A_135, %dma_start3A_141] : memref<20x512xi32, #tpu.memory_space<vmem>> -> memref<1x512xi32, #tpu.memory_space<vmem>>
          %dma_start3A_143 = tpu.memref_squeeze %dma_start3A_142 : memref<1x512xi32, #tpu.memory_space<vmem>> -> memref<512xi32, #tpu.memory_space<vmem>>
          %dma_start3A_144 = arith.constant 0 : i32
          %dma_start3A_145 = arith.constant 0 : i32
          %dma_start3A_146 = tpu.memref_slice %arg2[%dma_start3A_144, %dma_start3A_145] : memref<81920x16xf32, #tpu.memory_space<hbm>> -> memref<81920x16xf32, #tpu.memory_space<hbm>>
          tpu.enqueue_indirect_dma source(%dma_start3A_146 : memref<81920x16xf32, #tpu.memory_space<hbm>>) target(%dma_start3A_140 : memref<512x16xf32, #tpu.memory_space<vmem>>) offsets(%dma_start3A_143 : memref<512xi32, #tpu.memory_space<vmem>>) semaphore(%arg26 : memref<!tpu.dma_semaphore, #tpu.memory_space<semaphore_mem>>)
        } else {
        }
        %dma_wait3A = arith.constant 0 : i32
        %dma_wait3A_90 = arith.constant 0 : i32
        %dma_wait3A_91 = arith.constant 0 : i32
        %dma_wait3A_92 = tpu.memref_slice %arg21[%dma_wait3A, %dma_wait3A_90, %dma_wait3A_91] : memref<2x512x16xf32, #tpu.memory_space<vmem>> -> memref<1x512x16xf32, #tpu.memory_space<vmem>>
        %dma_wait3A_93 = tpu.memref_squeeze %dma_wait3A_92 : memref<1x512x16xf32, #tpu.memory_space<vmem>> -> memref<512x16xf32, #tpu.memory_space<vmem>>
        %dma_wait3A_94 = arith.constant 0 : i32
        %dma_wait3A_95 = tpu.memref_slice %arg18[%add3A_83, %dma_wait3A_94] : memref<20x512xi32, #tpu.memory_space<vmem>> -> memref<1x512xi32, #tpu.memory_space<vmem>>
        %dma_wait3A_96 = tpu.memref_squeeze %dma_wait3A_95 : memref<1x512xi32, #tpu.memory_space<vmem>> -> memref<512xi32, #tpu.memory_space<vmem>>
        %dma_wait3A_97 = arith.constant 0 : i32
        %dma_wait3A_98 = arith.constant 0 : i32
        %dma_wait3A_99 = tpu.memref_slice %arg2[%dma_wait3A_97, %dma_wait3A_98] : memref<81920x16xf32, #tpu.memory_space<hbm>> -> memref<81920x16xf32, #tpu.memory_space<hbm>>
        tpu.wait_indirect_dma semaphore(%arg25 : memref<!tpu.dma_semaphore, #tpu.memory_space<semaphore_mem>>) src(%dma_wait3A_99 : memref<81920x16xf32, #tpu.memory_space<hbm>>) dst(%dma_wait3A_93 : memref<512x16xf32, #tpu.memory_space<vmem>>)
        %scan3A_100 = arith.constant 0 : i32
        %scan3A_101 = arith.constant 32 : i32
        %scan3A_102 = arith.addi %scan3A_100, %scan3A_101 : i32
        %scan3A_103 = arith.constant 1 : i32
        scf.for %scan3A_134 = %scan3A_100 to %scan3A_102 step %scan3A_103  : i32 {
          %mul3A_135 = arith.constant 1 : i32
          %mul3A_136 = arith.muli %scan3A_134, %mul3A_135 : i32
          %add3A_137 = arith.constant 0 : i32
          %add3A_138 = arith.addi %add3A_137, %mul3A_136 : i32
          %mul3A_139 = arith.constant 16 : i32
          %mul3A_140 = arith.muli %add3A_138, %mul3A_139 : i32
          %get3A_141 = arith.index_cast %add3A_83 : i32 to index
          %get3A_142 = arith.index_cast %mul3A_140 : i32 to index
          %get3A_143 = tpu.vector_load %arg20[%get3A_141, %get3A_142] {strides = array<i32>} : memref<20x512xf32, #tpu.memory_space<vmem>>, vector<16xf32>,
          %slice3A = vector.extract_strided_slice %get3A_143 {offsets = [0], sizes = [1], strides = [1]} : vector<16xf32> to vector<1xf32>
          %squeeze3A = vector.extract %slice3A[0] : f32 from vector<1xf32>
          %mul3A_144 = arith.constant 16 : i32
          %mul3A_145 = arith.muli %add3A_138, %mul3A_144 : i32
          %add3A_146 = arith.constant 0 : i32
          %add3A_147 = arith.addi %mul3A_145, %add3A_146 : i32
          %get3A_148 = arith.constant 0 : i32
          %get3A_149 = arith.index_cast %get3A_148 : i32 to index
          %get3A_150 = arith.index_cast %add3A_147 : i32 to index
          %get3A_151 = arith.constant 0 : index
          %get3A_152 = tpu.vector_load %arg21[%get3A_149, %get3A_150, %get3A_151] {strides = array<i32>} : memref<2x512x16xf32, #tpu.memory_space<vmem>>, vector<16xf32>,
          %mul3A_153 = vector.broadcast %squeeze3A : f32 to vector<16xf32>
          %mul3A_154 = arith.mulf %get3A_152, %mul3A_153 : vector<16xf32>
          %swap3A = arith.constant 0 : i32
          %swap3A_155 = arith.index_cast %swap3A : i32 to index
          %swap3A_156 = arith.index_cast %add3A_147 : i32 to index
          %swap3A_157 = arith.constant 0 : index
          %swap3A_158 = tpu.vector_load %arg21[%swap3A_155, %swap3A_156, %swap3A_157] {strides = array<i32>} : memref<2x512x16xf32, #tpu.memory_space<vmem>>, vector<16xf32>,
          tpu.vector_store %arg21[%swap3A_155, %swap3A_156, %swap3A_157], %mul3A_154 {strides = array<i32>} : memref<2x512x16xf32, #tpu.memory_space<vmem>>, vector<16xf32>,
          %slice3A_159 = vector.extract_strided_slice %get3A_143 {offsets = [1], sizes = [1], strides = [1]} : vector<16xf32> to vector<1xf32>
          %squeeze3A_160 = vector.extract %slice3A_159[0] : f32 from vector<1xf32>
          %mul3A_161 = arith.constant 16 : i32
          %mul3A_162 = arith.muli %add3A_138, %mul3A_161 : i32
          %add3A_163 = arith.constant 1 : i32
          %add3A_164 = arith.addi %mul3A_162, %add3A_163 : i32
          %get3A_165 = arith.constant 0 : i32
          %get3A_166 = arith.index_cast %get3A_165 : i32 to index
          %get3A_167 = arith.index_cast %add3A_164 : i32 to index
          %get3A_168 = arith.constant 0 : index
          %get3A_169 = tpu.vector_load %arg21[%get3A_166, %get3A_167, %get3A_168] {strides = array<i32>} : memref<2x512x16xf32, #tpu.memory_space<vmem>>, vector<16xf32>,
          %mul3A_170 = vector.broadcast %squeeze3A_160 : f32 to vector<16xf32>
          %mul3A_171 = arith.mulf %get3A_169, %mul3A_170 : vector<16xf32>
          %swap3A_172 = arith.constant 0 : i32
          %swap3A_173 = arith.index_cast %swap3A_172 : i32 to index
          %swap3A_174 = arith.index_cast %add3A_164 : i32 to index
          %swap3A_175 = arith.constant 0 : index
          %swap3A_176 = tpu.vector_load %arg21[%swap3A_173, %swap3A_174, %swap3A_175] {strides = array<i32>} : memref<2x512x16xf32, #tpu.memory_space<vmem>>, vector<16xf32>,
          tpu.vector_store %arg21[%swap3A_173, %swap3A_174, %swap3A_175], %mul3A_171 {strides = array<i32>} : memref<2x512x16xf32, #tpu.memory_space<vmem>>, vector<16xf32>,
          %slice3A_177 = vector.extract_strided_slice %get3A_143 {offsets = [2], sizes = [1], strides = [1]} : vector<16xf32> to vector<1xf32>
          %squeeze3A_178 = vector.extract %slice3A_177[0] : f32 from vector<1xf32>
          %mul3A_179 = arith.constant 16 : i32
          %mul3A_180 = arith.muli %add3A_138, %mul3A_179 : i32
          %add3A_181 = arith.constant 2 : i32
          %add3A_182 = arith.addi %mul3A_180, %add3A_181 : i32
          %get3A_183 = arith.constant 0 : i32
          %get3A_184 = arith.index_cast %get3A_183 : i32 to index
          %get3A_185 = arith.index_cast %add3A_182 : i32 to index
          %get3A_186 = arith.constant 0 : index
          %get3A_187 = tpu.vector_load %arg21[%get3A_184, %get3A_185, %get3A_186] {strides = array<i32>} : memref<2x512x16xf32, #tpu.memory_space<vmem>>, vector<16xf32>,
          %mul3A_188 = vector.broadcast %squeeze3A_178 : f32 to vector<16xf32>
          %mul3A_189 = arith.mulf %get3A_187, %mul3A_188 : vector<16xf32>
          %swap3A_190 = arith.constant 0 : i32
          %swap3A_191 = arith.index_cast %swap3A_190 : i32 to index
          %swap3A_192 = arith.index_cast %add3A_182 : i32 to index
          %swap3A_193 = arith.constant 0 : index
          %swap3A_194 = tpu.vector_load %arg21[%swap3A_191, %swap3A_192, %swap3A_193] {strides = array<i32>} : memref<2x512x16xf32, #tpu.memory_space<vmem>>, vector<16xf32>,
          tpu.vector_store %arg21[%swap3A_191, %swap3A_192, %swap3A_193], %mul3A_189 {strides = array<i32>} : memref<2x512x16xf32, #tpu.memory_space<vmem>>, vector<16xf32>,
          %slice3A_195 = vector.extract_strided_slice %get3A_143 {offsets = [3], sizes = [1], strides = [1]} : vector<16xf32> to vector<1xf32>
          %squeeze3A_196 = vector.extract %slice3A_195[0] : f32 from vector<1xf32>
          %mul3A_197 = arith.constant 16 : i32
          %mul3A_198 = arith.muli %add3A_138, %mul3A_197 : i32
          %add3A_199 = arith.constant 3 : i32
          %add3A_200 = arith.addi %mul3A_198, %add3A_199 : i32
          %get3A_201 = arith.constant 0 : i32
          %get3A_202 = arith.index_cast %get3A_201 : i32 to index
          %get3A_203 = arith.index_cast %add3A_200 : i32 to index
          %get3A_204 = arith.constant 0 : index
          %get3A_205 = tpu.vector_load %arg21[%get3A_202, %get3A_203, %get3A_204] {strides = array<i32>} : memref<2x512x16xf32, #tpu.memory_space<vmem>>, vector<16xf32>,
          %mul3A_206 = vector.broadcast %squeeze3A_196 : f32 to vector<16xf32>
          %mul3A_207 = arith.mulf %get3A_205, %mul3A_206 : vector<16xf32>
          %swap3A_208 = arith.constant 0 : i32
          %swap3A_209 = arith.index_cast %swap3A_208 : i32 to index
          %swap3A_210 = arith.index_cast %add3A_200 : i32 to index
          %swap3A_211 = arith.constant 0 : index
          %swap3A_212 = tpu.vector_load %arg21[%swap3A_209, %swap3A_210, %swap3A_211] {strides = array<i32>} : memref<2x512x16xf32, #tpu.memory_space<vmem>>, vector<16xf32>,
          tpu.vector_store %arg21[%swap3A_209, %swap3A_210, %swap3A_211], %mul3A_207 {strides = array<i32>} : memref<2x512x16xf32, #tpu.memory_space<vmem>>, vector<16xf32>,
          %slice3A_213 = vector.extract_strided_slice %get3A_143 {offsets = [4], sizes = [1], strides = [1]} : vector<16xf32> to vector<1xf32>
          %squeeze3A_214 = vector.extract %slice3A_213[0] : f32 from vector<1xf32>
          %mul3A_215 = arith.constant 16 : i32
          %mul3A_216 = arith.muli %add3A_138, %mul3A_215 : i32
          %add3A_217 = arith.constant 4 : i32
          %add3A_218 = arith.addi %mul3A_216, %add3A_217 : i32
          %get3A_219 = arith.constant 0 : i32
          %get3A_220 = arith.index_cast %get3A_219 : i32 to index
          %get3A_221 = arith.index_cast %add3A_218 : i32 to index
          %get3A_222 = arith.constant 0 : index
          %get3A_223 = tpu.vector_load %arg21[%get3A_220, %get3A_221, %get3A_222] {strides = array<i32>} : memref<2x512x16xf32, #tpu.memory_space<vmem>>, vector<16xf32>,
          %mul3A_224 = vector.broadcast %squeeze3A_214 : f32 to vector<16xf32>
          %mul3A_225 = arith.mulf %get3A_223, %mul3A_224 : vector<16xf32>
          %swap3A_226 = arith.constant 0 : i32
          %swap3A_227 = arith.index_cast %swap3A_226 : i32 to index
          %swap3A_228 = arith.index_cast %add3A_218 : i32 to index
          %swap3A_229 = arith.constant 0 : index
          %swap3A_230 = tpu.vector_load %arg21[%swap3A_227, %swap3A_228, %swap3A_229] {strides = array<i32>} : memref<2x512x16xf32, #tpu.memory_space<vmem>>, vector<16xf32>,
          tpu.vector_store %arg21[%swap3A_227, %swap3A_228, %swap3A_229], %mul3A_225 {strides = array<i32>} : memref<2x512x16xf32, #tpu.memory_space<vmem>>, vector<16xf32>,
          %slice3A_231 = vector.extract_strided_slice %get3A_143 {offsets = [5], sizes = [1], strides = [1]} : vector<16xf32> to vector<1xf32>
          %squeeze3A_232 = vector.extract %slice3A_231[0] : f32 from vector<1xf32>
          %mul3A_233 = arith.constant 16 : i32
          %mul3A_234 = arith.muli %add3A_138, %mul3A_233 : i32
          %add3A_235 = arith.constant 5 : i32
          %add3A_236 = arith.addi %mul3A_234, %add3A_235 : i32
          %get3A_237 = arith.constant 0 : i32
          %get3A_238 = arith.index_cast %get3A_237 : i32 to index
          %get3A_239 = arith.index_cast %add3A_236 : i32 to index
          %get3A_240 = arith.constant 0 : index
          %get3A_241 = tpu.vector_load %arg21[%get3A_238, %get3A_239, %get3A_240] {strides = array<i32>} : memref<2x512x16xf32, #tpu.memory_space<vmem>>, vector<16xf32>,
          %mul3A_242 = vector.broadcast %squeeze3A_232 : f32 to vector<16xf32>
          %mul3A_243 = arith.mulf %get3A_241, %mul3A_242 : vector<16xf32>
          %swap3A_244 = arith.constant 0 : i32
          %swap3A_245 = arith.index_cast %swap3A_244 : i32 to index
          %swap3A_246 = arith.index_cast %add3A_236 : i32 to index
          %swap3A_247 = arith.constant 0 : index
          %swap3A_248 = tpu.vector_load %arg21[%swap3A_245, %swap3A_246, %swap3A_247] {strides = array<i32>} : memref<2x512x16xf32, #tpu.memory_space<vmem>>, vector<16xf32>,
          tpu.vector_store %arg21[%swap3A_245, %swap3A_246, %swap3A_247], %mul3A_243 {strides = array<i32>} : memref<2x512x16xf32, #tpu.memory_space<vmem>>, vector<16xf32>,
          %slice3A_249 = vector.extract_strided_slice %get3A_143 {offsets = [6], sizes = [1], strides = [1]} : vector<16xf32> to vector<1xf32>
          %squeeze3A_250 = vector.extract %slice3A_249[0] : f32 from vector<1xf32>
          %mul3A_251 = arith.constant 16 : i32
          %mul3A_252 = arith.muli %add3A_138, %mul3A_251 : i32
          %add3A_253 = arith.constant 6 : i32
          %add3A_254 = arith.addi %mul3A_252, %add3A_253 : i32
          %get3A_255 = arith.constant 0 : i32
          %get3A_256 = arith.index_cast %get3A_255 : i32 to index
          %get3A_257 = arith.index_cast %add3A_254 : i32 to index
          %get3A_258 = arith.constant 0 : index
          %get3A_259 = tpu.vector_load %arg21[%get3A_256, %get3A_257, %get3A_258] {strides = array<i32>} : memref<2x512x16xf32, #tpu.memory_space<vmem>>, vector<16xf32>,
          %mul3A_260 = vector.broadcast %squeeze3A_250 : f32 to vector<16xf32>
          %mul3A_261 = arith.mulf %get3A_259, %mul3A_260 : vector<16xf32>
          %swap3A_262 = arith.constant 0 : i32
          %swap3A_263 = arith.index_cast %swap3A_262 : i32 to index
          %swap3A_264 = arith.index_cast %add3A_254 : i32 to index
          %swap3A_265 = arith.constant 0 : index
          %swap3A_266 = tpu.vector_load %arg21[%swap3A_263, %swap3A_264, %swap3A_265] {strides = array<i32>} : memref<2x512x16xf32, #tpu.memory_space<vmem>>, vector<16xf32>,
          tpu.vector_store %arg21[%swap3A_263, %swap3A_264, %swap3A_265], %mul3A_261 {strides = array<i32>} : memref<2x512x16xf32, #tpu.memory_space<vmem>>, vector<16xf32>,
          %slice3A_267 = vector.extract_strided_slice %get3A_143 {offsets = [7], sizes = [1], strides = [1]} : vector<16xf32> to vector<1xf32>
          %squeeze3A_268 = vector.extract %slice3A_267[0] : f32 from vector<1xf32>
          %mul3A_269 = arith.constant 16 : i32
          %mul3A_270 = arith.muli %add3A_138, %mul3A_269 : i32
          %add3A_271 = arith.constant 7 : i32
          %add3A_272 = arith.addi %mul3A_270, %add3A_271 : i32
          %get3A_273 = arith.constant 0 : i32
          %get3A_274 = arith.index_cast %get3A_273 : i32 to index
          %get3A_275 = arith.index_cast %add3A_272 : i32 to index
          %get3A_276 = arith.constant 0 : index
          %get3A_277 = tpu.vector_load %arg21[%get3A_274, %get3A_275, %get3A_276] {strides = array<i32>} : memref<2x512x16xf32, #tpu.memory_space<vmem>>, vector<16xf32>,
          %mul3A_278 = vector.broadcast %squeeze3A_268 : f32 to vector<16xf32>
          %mul3A_279 = arith.mulf %get3A_277, %mul3A_278 : vector<16xf32>
          %swap3A_280 = arith.constant 0 : i32
          %swap3A_281 = arith.index_cast %swap3A_280 : i32 to index
          %swap3A_282 = arith.index_cast %add3A_272 : i32 to index
          %swap3A_283 = arith.constant 0 : index
          %swap3A_284 = tpu.vector_load %arg21[%swap3A_281, %swap3A_282, %swap3A_283] {strides = array<i32>} : memref<2x512x16xf32, #tpu.memory_space<vmem>>, vector<16xf32>,
          tpu.vector_store %arg21[%swap3A_281, %swap3A_282, %swap3A_283], %mul3A_279 {strides = array<i32>} : memref<2x512x16xf32, #tpu.memory_space<vmem>>, vector<16xf32>,
          %slice3A_285 = vector.extract_strided_slice %get3A_143 {offsets = [8], sizes = [1], strides = [1]} : vector<16xf32> to vector<1xf32>
          %squeeze3A_286 = vector.extract %slice3A_285[0] : f32 from vector<1xf32>
          %mul3A_287 = arith.constant 16 : i32
          %mul3A_288 = arith.muli %add3A_138, %mul3A_287 : i32
          %add3A_289 = arith.constant 8 : i32
          %add3A_290 = arith.addi %mul3A_288, %add3A_289 : i32
          %get3A_291 = arith.constant 0 : i32
          %get3A_292 = arith.index_cast %get3A_291 : i32 to index
          %get3A_293 = arith.index_cast %add3A_290 : i32 to index
          %get3A_294 = arith.constant 0 : index
          %get3A_295 = tpu.vector_load %arg21[%get3A_292, %get3A_293, %get3A_294] {strides = array<i32>} : memref<2x512x16xf32, #tpu.memory_space<vmem>>, vector<16xf32>,
          %mul3A_296 = vector.broadcast %squeeze3A_286 : f32 to vector<16xf32>
          %mul3A_297 = arith.mulf %get3A_295, %mul3A_296 : vector<16xf32>
          %swap3A_298 = arith.constant 0 : i32
          %swap3A_299 = arith.index_cast %swap3A_298 : i32 to index
          %swap3A_300 = arith.index_cast %add3A_290 : i32 to index
          %swap3A_301 = arith.constant 0 : index
          %swap3A_302 = tpu.vector_load %arg21[%swap3A_299, %swap3A_300, %swap3A_301] {strides = array<i32>} : memref<2x512x16xf32, #tpu.memory_space<vmem>>, vector<16xf32>,
          tpu.vector_store %arg21[%swap3A_299, %swap3A_300, %swap3A_301], %mul3A_297 {strides = array<i32>} : memref<2x512x16xf32, #tpu.memory_space<vmem>>, vector<16xf32>,
          %slice3A_303 = vector.extract_strided_slice %get3A_143 {offsets = [9], sizes = [1], strides = [1]} : vector<16xf32> to vector<1xf32>
          %squeeze3A_304 = vector.extract %slice3A_303[0] : f32 from vector<1xf32>
          %mul3A_305 = arith.constant 16 : i32
          %mul3A_306 = arith.muli %add3A_138, %mul3A_305 : i32
          %add3A_307 = arith.constant 9 : i32
          %add3A_308 = arith.addi %mul3A_306, %add3A_307 : i32
          %get3A_309 = arith.constant 0 : i32
          %get3A_310 = arith.index_cast %get3A_309 : i32 to index
          %get3A_311 = arith.index_cast %add3A_308 : i32 to index
          %get3A_312 = arith.constant 0 : index
          %get3A_313 = tpu.vector_load %arg21[%get3A_310, %get3A_311, %get3A_312] {strides = array<i32>} : memref<2x512x16xf32, #tpu.memory_space<vmem>>, vector<16xf32>,
          %mul3A_314 = vector.broadcast %squeeze3A_304 : f32 to vector<16xf32>
          %mul3A_315 = arith.mulf %get3A_313, %mul3A_314 : vector<16xf32>
          %swap3A_316 = arith.constant 0 : i32
          %swap3A_317 = arith.index_cast %swap3A_316 : i32 to index
          %swap3A_318 = arith.index_cast %add3A_308 : i32 to index
          %swap3A_319 = arith.constant 0 : index
          %swap3A_320 = tpu.vector_load %arg21[%swap3A_317, %swap3A_318, %swap3A_319] {strides = array<i32>} : memref<2x512x16xf32, #tpu.memory_space<vmem>>, vector<16xf32>,
          tpu.vector_store %arg21[%swap3A_317, %swap3A_318, %swap3A_319], %mul3A_315 {strides = array<i32>} : memref<2x512x16xf32, #tpu.memory_space<vmem>>, vector<16xf32>,
          %slice3A_321 = vector.extract_strided_slice %get3A_143 {offsets = [10], sizes = [1], strides = [1]} : vector<16xf32> to vector<1xf32>
          %squeeze3A_322 = vector.extract %slice3A_321[0] : f32 from vector<1xf32>
          %mul3A_323 = arith.constant 16 : i32
          %mul3A_324 = arith.muli %add3A_138, %mul3A_323 : i32
          %add3A_325 = arith.constant 10 : i32
          %add3A_326 = arith.addi %mul3A_324, %add3A_325 : i32
          %get3A_327 = arith.constant 0 : i32
          %get3A_328 = arith.index_cast %get3A_327 : i32 to index
          %get3A_329 = arith.index_cast %add3A_326 : i32 to index
          %get3A_330 = arith.constant 0 : index
          %get3A_331 = tpu.vector_load %arg21[%get3A_328, %get3A_329, %get3A_330] {strides = array<i32>} : memref<2x512x16xf32, #tpu.memory_space<vmem>>, vector<16xf32>,
          %mul3A_332 = vector.broadcast %squeeze3A_322 : f32 to vector<16xf32>
          %mul3A_333 = arith.mulf %get3A_331, %mul3A_332 : vector<16xf32>
          %swap3A_334 = arith.constant 0 : i32
          %swap3A_335 = arith.index_cast %swap3A_334 : i32 to index
          %swap3A_336 = arith.index_cast %add3A_326 : i32 to index
          %swap3A_337 = arith.constant 0 : index
          %swap3A_338 = tpu.vector_load %arg21[%swap3A_335, %swap3A_336, %swap3A_337] {strides = array<i32>} : memref<2x512x16xf32, #tpu.memory_space<vmem>>, vector<16xf32>,
          tpu.vector_store %arg21[%swap3A_335, %swap3A_336, %swap3A_337], %mul3A_333 {strides = array<i32>} : memref<2x512x16xf32, #tpu.memory_space<vmem>>, vector<16xf32>,
          %slice3A_339 = vector.extract_strided_slice %get3A_143 {offsets = [11], sizes = [1], strides = [1]} : vector<16xf32> to vector<1xf32>
          %squeeze3A_340 = vector.extract %slice3A_339[0] : f32 from vector<1xf32>
          %mul3A_341 = arith.constant 16 : i32
          %mul3A_342 = arith.muli %add3A_138, %mul3A_341 : i32
          %add3A_343 = arith.constant 11 : i32
          %add3A_344 = arith.addi %mul3A_342, %add3A_343 : i32
          %get3A_345 = arith.constant 0 : i32
          %get3A_346 = arith.index_cast %get3A_345 : i32 to index
          %get3A_347 = arith.index_cast %add3A_344 : i32 to index
          %get3A_348 = arith.constant 0 : index
          %get3A_349 = tpu.vector_load %arg21[%get3A_346, %get3A_347, %get3A_348] {strides = array<i32>} : memref<2x512x16xf32, #tpu.memory_space<vmem>>, vector<16xf32>,
          %mul3A_350 = vector.broadcast %squeeze3A_340 : f32 to vector<16xf32>
          %mul3A_351 = arith.mulf %get3A_349, %mul3A_350 : vector<16xf32>
          %swap3A_352 = arith.constant 0 : i32
          %swap3A_353 = arith.index_cast %swap3A_352 : i32 to index
          %swap3A_354 = arith.index_cast %add3A_344 : i32 to index
          %swap3A_355 = arith.constant 0 : index
          %swap3A_356 = tpu.vector_load %arg21[%swap3A_353, %swap3A_354, %swap3A_355] {strides = array<i32>} : memref<2x512x16xf32, #tpu.memory_space<vmem>>, vector<16xf32>,
          tpu.vector_store %arg21[%swap3A_353, %swap3A_354, %swap3A_355], %mul3A_351 {strides = array<i32>} : memref<2x512x16xf32, #tpu.memory_space<vmem>>, vector<16xf32>,
          %slice3A_357 = vector.extract_strided_slice %get3A_143 {offsets = [12], sizes = [1], strides = [1]} : vector<16xf32> to vector<1xf32>
          %squeeze3A_358 = vector.extract %slice3A_357[0] : f32 from vector<1xf32>
          %mul3A_359 = arith.constant 16 : i32
          %mul3A_360 = arith.muli %add3A_138, %mul3A_359 : i32
          %add3A_361 = arith.constant 12 : i32
          %add3A_362 = arith.addi %mul3A_360, %add3A_361 : i32
          %get3A_363 = arith.constant 0 : i32
          %get3A_364 = arith.index_cast %get3A_363 : i32 to index
          %get3A_365 = arith.index_cast %add3A_362 : i32 to index
          %get3A_366 = arith.constant 0 : index
          %get3A_367 = tpu.vector_load %arg21[%get3A_364, %get3A_365, %get3A_366] {strides = array<i32>} : memref<2x512x16xf32, #tpu.memory_space<vmem>>, vector<16xf32>,
          %mul3A_368 = vector.broadcast %squeeze3A_358 : f32 to vector<16xf32>
          %mul3A_369 = arith.mulf %get3A_367, %mul3A_368 : vector<16xf32>
          %swap3A_370 = arith.constant 0 : i32
          %swap3A_371 = arith.index_cast %swap3A_370 : i32 to index
          %swap3A_372 = arith.index_cast %add3A_362 : i32 to index
          %swap3A_373 = arith.constant 0 : index
          %swap3A_374 = tpu.vector_load %arg21[%swap3A_371, %swap3A_372, %swap3A_373] {strides = array<i32>} : memref<2x512x16xf32, #tpu.memory_space<vmem>>, vector<16xf32>,
          tpu.vector_store %arg21[%swap3A_371, %swap3A_372, %swap3A_373], %mul3A_369 {strides = array<i32>} : memref<2x512x16xf32, #tpu.memory_space<vmem>>, vector<16xf32>,
          %slice3A_375 = vector.extract_strided_slice %get3A_143 {offsets = [13], sizes = [1], strides = [1]} : vector<16xf32> to vector<1xf32>
          %squeeze3A_376 = vector.extract %slice3A_375[0] : f32 from vector<1xf32>
          %mul3A_377 = arith.constant 16 : i32
          %mul3A_378 = arith.muli %add3A_138, %mul3A_377 : i32
          %add3A_379 = arith.constant 13 : i32
          %add3A_380 = arith.addi %mul3A_378, %add3A_379 : i32
          %get3A_381 = arith.constant 0 : i32
          %get3A_382 = arith.index_cast %get3A_381 : i32 to index
          %get3A_383 = arith.index_cast %add3A_380 : i32 to index
          %get3A_384 = arith.constant 0 : index
          %get3A_385 = tpu.vector_load %arg21[%get3A_382, %get3A_383, %get3A_384] {strides = array<i32>} : memref<2x512x16xf32, #tpu.memory_space<vmem>>, vector<16xf32>,
          %mul3A_386 = vector.broadcast %squeeze3A_376 : f32 to vector<16xf32>
          %mul3A_387 = arith.mulf %get3A_385, %mul3A_386 : vector<16xf32>
          %swap3A_388 = arith.constant 0 : i32
          %swap3A_389 = arith.index_cast %swap3A_388 : i32 to index
          %swap3A_390 = arith.index_cast %add3A_380 : i32 to index
          %swap3A_391 = arith.constant 0 : index
          %swap3A_392 = tpu.vector_load %arg21[%swap3A_389, %swap3A_390, %swap3A_391] {strides = array<i32>} : memref<2x512x16xf32, #tpu.memory_space<vmem>>, vector<16xf32>,
          tpu.vector_store %arg21[%swap3A_389, %swap3A_390, %swap3A_391], %mul3A_387 {strides = array<i32>} : memref<2x512x16xf32, #tpu.memory_space<vmem>>, vector<16xf32>,
          %slice3A_393 = vector.extract_strided_slice %get3A_143 {offsets = [14], sizes = [1], strides = [1]} : vector<16xf32> to vector<1xf32>
          %squeeze3A_394 = vector.extract %slice3A_393[0] : f32 from vector<1xf32>
          %mul3A_395 = arith.constant 16 : i32
          %mul3A_396 = arith.muli %add3A_138, %mul3A_395 : i32
          %add3A_397 = arith.constant 14 : i32
          %add3A_398 = arith.addi %mul3A_396, %add3A_397 : i32
          %get3A_399 = arith.constant 0 : i32
          %get3A_400 = arith.index_cast %get3A_399 : i32 to index
          %get3A_401 = arith.index_cast %add3A_398 : i32 to index
          %get3A_402 = arith.constant 0 : index
          %get3A_403 = tpu.vector_load %arg21[%get3A_400, %get3A_401, %get3A_402] {strides = array<i32>} : memref<2x512x16xf32, #tpu.memory_space<vmem>>, vector<16xf32>,
          %mul3A_404 = vector.broadcast %squeeze3A_394 : f32 to vector<16xf32>
          %mul3A_405 = arith.mulf %get3A_403, %mul3A_404 : vector<16xf32>
          %swap3A_406 = arith.constant 0 : i32
          %swap3A_407 = arith.index_cast %swap3A_406 : i32 to index
          %swap3A_408 = arith.index_cast %add3A_398 : i32 to index
          %swap3A_409 = arith.constant 0 : index
          %swap3A_410 = tpu.vector_load %arg21[%swap3A_407, %swap3A_408, %swap3A_409] {strides = array<i32>} : memref<2x512x16xf32, #tpu.memory_space<vmem>>, vector<16xf32>,
          tpu.vector_store %arg21[%swap3A_407, %swap3A_408, %swap3A_409], %mul3A_405 {strides = array<i32>} : memref<2x512x16xf32, #tpu.memory_space<vmem>>, vector<16xf32>,
          %slice3A_411 = vector.extract_strided_slice %get3A_143 {offsets = [15], sizes = [1], strides = [1]} : vector<16xf32> to vector<1xf32>
          %squeeze3A_412 = vector.extract %slice3A_411[0] : f32 from vector<1xf32>
          %mul3A_413 = arith.constant 16 : i32
          %mul3A_414 = arith.muli %add3A_138, %mul3A_413 : i32
          %add3A_415 = arith.constant 15 : i32
          %add3A_416 = arith.addi %mul3A_414, %add3A_415 : i32
          %get3A_417 = arith.constant 0 : i32
          %get3A_418 = arith.index_cast %get3A_417 : i32 to index
          %get3A_419 = arith.index_cast %add3A_416 : i32 to index
          %get3A_420 = arith.constant 0 : index
          %get3A_421 = tpu.vector_load %arg21[%get3A_418, %get3A_419, %get3A_420] {strides = array<i32>} : memref<2x512x16xf32, #tpu.memory_space<vmem>>, vector<16xf32>,
          %mul3A_422 = vector.broadcast %squeeze3A_412 : f32 to vector<16xf32>
          %mul3A_423 = arith.mulf %get3A_421, %mul3A_422 : vector<16xf32>
          %swap3A_424 = arith.constant 0 : i32
          %swap3A_425 = arith.index_cast %swap3A_424 : i32 to index
          %swap3A_426 = arith.index_cast %add3A_416 : i32 to index
          %swap3A_427 = arith.constant 0 : index
          %swap3A_428 = tpu.vector_load %arg21[%swap3A_425, %swap3A_426, %swap3A_427] {strides = array<i32>} : memref<2x512x16xf32, #tpu.memory_space<vmem>>, vector<16xf32>,
          tpu.vector_store %arg21[%swap3A_425, %swap3A_426, %swap3A_427], %mul3A_423 {strides = array<i32>} : memref<2x512x16xf32, #tpu.memory_space<vmem>>, vector<16xf32>,
        }
        %scan3A_104 = arith.constant 32 : i32
        %run_scoped3A = arith.constant 0 : i32
        "tpu.region"() ({
          %run_scoped3A_134 = tpu.sem_alloc : memref<!tpu.dma_semaphore, #tpu.memory_space<semaphore_mem>>
          %dma_start3A_135 = arith.constant 0 : i32
          %dma_start3A_136 = arith.constant 0 : i32
          %dma_start3A_137 = tpu.memref_slice %arg21[%run_scoped3A, %dma_start3A_135, %dma_start3A_136] : memref<2x512x16xf32, #tpu.memory_space<vmem>> -> memref<1x512x16xf32, #tpu.memory_space<vmem>>
          %dma_start3A_138 = tpu.memref_squeeze %dma_start3A_137 : memref<1x512x16xf32, #tpu.memory_space<vmem>> -> memref<512x16xf32, #tpu.memory_space<vmem>>
          %dma_start3A_139 = arith.constant 0 : i32
          %dma_start3A_140 = tpu.memref_slice %arg19[%add3A_83, %dma_start3A_139] : memref<20x512xi32, #tpu.memory_space<vmem>> -> memref<1x512xi32, #tpu.memory_space<vmem>>
          %dma_start3A_141 = tpu.memref_squeeze %dma_start3A_140 : memref<1x512xi32, #tpu.memory_space<vmem>> -> memref<512xi32, #tpu.memory_space<vmem>>
          %dma_start3A_142 = arith.constant 0 : i32
          %dma_start3A_143 = arith.constant 0 : i32
          %dma_start3A_144 = tpu.memref_slice %arg23[%dma_start3A_142, %dma_start3A_143] : memref<10240x16xf32, #tpu.memory_space<vmem_shared>> -> memref<10240x16xf32, #tpu.memory_space<vmem_shared>>
          tpu.enqueue_indirect_dma source(%dma_start3A_138 : memref<512x16xf32, #tpu.memory_space<vmem>>) target(%dma_start3A_144 : memref<10240x16xf32, #tpu.memory_space<vmem_shared>>) offsets(%dma_start3A_141 : memref<512xi32, #tpu.memory_space<vmem>>) semaphore(%run_scoped3A_134 : memref<!tpu.dma_semaphore, #tpu.memory_space<semaphore_mem>>) {add = true}
          %dma_wait3A_145 = arith.constant 0 : i32
          %dma_wait3A_146 = arith.constant 0 : i32
          %dma_wait3A_147 = tpu.memref_slice %arg21[%run_scoped3A, %dma_wait3A_145, %dma_wait3A_146] : memref<2x512x16xf32, #tpu.memory_space<vmem>> -> memref<1x512x16xf32, #tpu.memory_space<vmem>>
          %dma_wait3A_148 = tpu.memref_squeeze %dma_wait3A_147 : memref<1x512x16xf32, #tpu.memory_space<vmem>> -> memref<512x16xf32, #tpu.memory_space<vmem>>
          %dma_wait3A_149 = arith.constant 0 : i32
          %dma_wait3A_150 = tpu.memref_slice %arg19[%add3A_83, %dma_wait3A_149] : memref<20x512xi32, #tpu.memory_space<vmem>> -> memref<1x512xi32, #tpu.memory_space<vmem>>
          %dma_wait3A_151 = tpu.memref_squeeze %dma_wait3A_150 : memref<1x512xi32, #tpu.memory_space<vmem>> -> memref<512xi32, #tpu.memory_space<vmem>>
          %dma_wait3A_152 = arith.constant 0 : i32
          %dma_wait3A_153 = arith.constant 0 : i32
          %dma_wait3A_154 = tpu.memref_slice %arg23[%dma_wait3A_152, %dma_wait3A_153] : memref<10240x16xf32, #tpu.memory_space<vmem_shared>> -> memref<10240x16xf32, #tpu.memory_space<vmem_shared>>
          tpu.wait_indirect_dma semaphore(%run_scoped3A_134 : memref<!tpu.dma_semaphore, #tpu.memory_space<semaphore_mem>>) src(%dma_wait3A_148 : memref<512x16xf32, #tpu.memory_space<vmem>>) dst(%dma_wait3A_154 : memref<10240x16xf32, #tpu.memory_space<vmem_shared>>)
          tpu.yield
        }) : () -> ()
        %mul3A_105 = arith.constant 2 : i32
        %mul3A_106 = arith.muli %scan3A_78, %mul3A_105 : i32
        %add3A_107 = arith.constant 1 : i32
        %add3A_108 = arith.addi %mul3A_106, %add3A_107 : i32
        %add3A_109 = arith.constant 1 : i32
        %add3A_110 = arith.addi %add3A_108, %add3A_109 : i32
        %lt3A_111 = arith.constant 20 : i32
        %lt3A_112 = arith.cmpi slt, %add3A_110, %lt3A_111 : i32
        %convert_element_type3A_113 = arith.extui %lt3A_112 : i1 to i32
        %cond3A_114 = arith.constant 0 : i32
        %cond3A_115 = arith.cmpi ne, %convert_element_type3A_113, %cond3A_114 : i32
        scf.if %cond3A_115 {
          %add3A_134 = arith.constant 1 : i32
          %add3A_135 = arith.addi %add3A_108, %add3A_134 : i32
          %dma_start3A_136 = arith.constant 0 : i32
          %dma_start3A_137 = arith.constant 0 : i32
          %dma_start3A_138 = arith.constant 0 : i32
          %dma_start3A_139 = tpu.memref_slice %arg21[%dma_start3A_136, %dma_start3A_137, %dma_start3A_138] : memref<2x512x16xf32, #tpu.memory_space<vmem>> -> memref<1x512x16xf32, #tpu.memory_space<vmem>>
          %dma_start3A_140 = tpu.memref_squeeze %dma_start3A_139 : memref<1x512x16xf32, #tpu.memory_space<vmem>> -> memref<512x16xf32, #tpu.memory_space<vmem>>
          %dma_start3A_141 = arith.constant 0 : i32
          %dma_start3A_142 = tpu.memref_slice %arg18[%add3A_135, %dma_start3A_141] : memref<20x512xi32, #tpu.memory_space<vmem>> -> memref<1x512xi32, #tpu.memory_space<vmem>>
          %dma_start3A_143 = tpu.memref_squeeze %dma_start3A_142 : memref<1x512xi32, #tpu.memory_space<vmem>> -> memref<512xi32, #tpu.memory_space<vmem>>
          %dma_start3A_144 = arith.constant 0 : i32
          %dma_start3A_145 = arith.constant 0 : i32
          %dma_start3A_146 = tpu.memref_slice %arg2[%dma_start3A_144, %dma_start3A_145] : memref<81920x16xf32, #tpu.memory_space<hbm>> -> memref<81920x16xf32, #tpu.memory_space<hbm>>
          tpu.enqueue_indirect_dma source(%dma_start3A_146 : memref<81920x16xf32, #tpu.memory_space<hbm>>) target(%dma_start3A_140 : memref<512x16xf32, #tpu.memory_space<vmem>>) offsets(%dma_start3A_143 : memref<512xi32, #tpu.memory_space<vmem>>) semaphore(%arg25 : memref<!tpu.dma_semaphore, #tpu.memory_space<semaphore_mem>>)
        } else {
        }
        %dma_wait3A_116 = arith.constant 1 : i32
        %dma_wait3A_117 = arith.constant 0 : i32
        %dma_wait3A_118 = arith.constant 0 : i32
        %dma_wait3A_119 = tpu.memref_slice %arg21[%dma_wait3A_116, %dma_wait3A_117, %dma_wait3A_118] : memref<2x512x16xf32, #tpu.memory_space<vmem>> -> memref<1x512x16xf32, #tpu.memory_space<vmem>>
        %dma_wait3A_120 = tpu.memref_squeeze %dma_wait3A_119 : memref<1x512x16xf32, #tpu.memory_space<vmem>> -> memref<512x16xf32, #tpu.memory_space<vmem>>
        %dma_wait3A_121 = arith.constant 0 : i32
        %dma_wait3A_122 = tpu.memref_slice %arg18[%add3A_108, %dma_wait3A_121] : memref<20x512xi32, #tpu.memory_space<vmem>> -> memref<1x512xi32, #tpu.memory_space<vmem>>
        %dma_wait3A_123 = tpu.memref_squeeze %dma_wait3A_122 : memref<1x512xi32, #tpu.memory_space<vmem>> -> memref<512xi32, #tpu.memory_space<vmem>>
        %dma_wait3A_124 = arith.constant 0 : i32
        %dma_wait3A_125 = arith.constant 0 : i32
        %dma_wait3A_126 = tpu.memref_slice %arg2[%dma_wait3A_124, %dma_wait3A_125] : memref<81920x16xf32, #tpu.memory_space<hbm>> -> memref<81920x16xf32, #tpu.memory_space<hbm>>
        tpu.wait_indirect_dma semaphore(%arg26 : memref<!tpu.dma_semaphore, #tpu.memory_space<semaphore_mem>>) src(%dma_wait3A_126 : memref<81920x16xf32, #tpu.memory_space<hbm>>) dst(%dma_wait3A_120 : memref<512x16xf32, #tpu.memory_space<vmem>>)
        %scan3A_127 = arith.constant 0 : i32
        %scan3A_128 = arith.constant 32 : i32
        %scan3A_129 = arith.addi %scan3A_127, %scan3A_128 : i32
        %scan3A_130 = arith.constant 1 : i32
        scf.for %scan3A_134 = %scan3A_127 to %scan3A_129 step %scan3A_130  : i32 {
          %mul3A_135 = arith.constant 1 : i32
          %mul3A_136 = arith.muli %scan3A_134, %mul3A_135 : i32
          %add3A_137 = arith.constant 0 : i32
          %add3A_138 = arith.addi %add3A_137, %mul3A_136 : i32
          %mul3A_139 = arith.constant 16 : i32
          %mul3A_140 = arith.muli %add3A_138, %mul3A_139 : i32
          %get3A_141 = arith.index_cast %add3A_108 : i32 to index
          %get3A_142 = arith.index_cast %mul3A_140 : i32 to index
          %get3A_143 = tpu.vector_load %arg20[%get3A_141, %get3A_142] {strides = array<i32>} : memref<20x512xf32, #tpu.memory_space<vmem>>, vector<16xf32>,
          %slice3A = vector.extract_strided_slice %get3A_143 {offsets = [0], sizes = [1], strides = [1]} : vector<16xf32> to vector<1xf32>
          %squeeze3A = vector.extract %slice3A[0] : f32 from vector<1xf32>
          %mul3A_144 = arith.constant 16 : i32
          %mul3A_145 = arith.muli %add3A_138, %mul3A_144 : i32
          %add3A_146 = arith.constant 0 : i32
          %add3A_147 = arith.addi %mul3A_145, %add3A_146 : i32
          %get3A_148 = arith.constant 1 : i32
          %get3A_149 = arith.index_cast %get3A_148 : i32 to index
          %get3A_150 = arith.index_cast %add3A_147 : i32 to index
          %get3A_151 = arith.constant 0 : index
          %get3A_152 = tpu.vector_load %arg21[%get3A_149, %get3A_150, %get3A_151] {strides = array<i32>} : memref<2x512x16xf32, #tpu.memory_space<vmem>>, vector<16xf32>,
          %mul3A_153 = vector.broadcast %squeeze3A : f32 to vector<16xf32>
          %mul3A_154 = arith.mulf %get3A_152, %mul3A_153 : vector<16xf32>
          %swap3A = arith.constant 1 : i32
          %swap3A_155 = arith.index_cast %swap3A : i32 to index
          %swap3A_156 = arith.index_cast %add3A_147 : i32 to index
          %swap3A_157 = arith.constant 0 : index
          %swap3A_158 = tpu.vector_load %arg21[%swap3A_155, %swap3A_156, %swap3A_157] {strides = array<i32>} : memref<2x512x16xf32, #tpu.memory_space<vmem>>, vector<16xf32>,
          tpu.vector_store %arg21[%swap3A_155, %swap3A_156, %swap3A_157], %mul3A_154 {strides = array<i32>} : memref<2x512x16xf32, #tpu.memory_space<vmem>>, vector<16xf32>,
          %slice3A_159 = vector.extract_strided_slice %get3A_143 {offsets = [1], sizes = [1], strides = [1]} : vector<16xf32> to vector<1xf32>
          %squeeze3A_160 = vector.extract %slice3A_159[0] : f32 from vector<1xf32>
          %mul3A_161 = arith.constant 16 : i32
          %mul3A_162 = arith.muli %add3A_138, %mul3A_161 : i32
          %add3A_163 = arith.constant 1 : i32
          %add3A_164 = arith.addi %mul3A_162, %add3A_163 : i32
          %get3A_165 = arith.constant 1 : i32
          %get3A_166 = arith.index_cast %get3A_165 : i32 to index
          %get3A_167 = arith.index_cast %add3A_164 : i32 to index
          %get3A_168 = arith.constant 0 : index
          %get3A_169 = tpu.vector_load %arg21[%get3A_166, %get3A_167, %get3A_168] {strides = array<i32>} : memref<2x512x16xf32, #tpu.memory_space<vmem>>, vector<16xf32>,
          %mul3A_170 = vector.broadcast %squeeze3A_160 : f32 to vector<16xf32>
          %mul3A_171 = arith.mulf %get3A_169, %mul3A_170 : vector<16xf32>
          %swap3A_172 = arith.constant 1 : i32
          %swap3A_173 = arith.index_cast %swap3A_172 : i32 to index
          %swap3A_174 = arith.index_cast %add3A_164 : i32 to index
          %swap3A_175 = arith.constant 0 : index
          %swap3A_176 = tpu.vector_load %arg21[%swap3A_173, %swap3A_174, %swap3A_175] {strides = array<i32>} : memref<2x512x16xf32, #tpu.memory_space<vmem>>, vector<16xf32>,
          tpu.vector_store %arg21[%swap3A_173, %swap3A_174, %swap3A_175], %mul3A_171 {strides = array<i32>} : memref<2x512x16xf32, #tpu.memory_space<vmem>>, vector<16xf32>,
          %slice3A_177 = vector.extract_strided_slice %get3A_143 {offsets = [2], sizes = [1], strides = [1]} : vector<16xf32> to vector<1xf32>
          %squeeze3A_178 = vector.extract %slice3A_177[0] : f32 from vector<1xf32>
          %mul3A_179 = arith.constant 16 : i32
          %mul3A_180 = arith.muli %add3A_138, %mul3A_179 : i32
          %add3A_181 = arith.constant 2 : i32
          %add3A_182 = arith.addi %mul3A_180, %add3A_181 : i32
          %get3A_183 = arith.constant 1 : i32
          %get3A_184 = arith.index_cast %get3A_183 : i32 to index
          %get3A_185 = arith.index_cast %add3A_182 : i32 to index
          %get3A_186 = arith.constant 0 : index
          %get3A_187 = tpu.vector_load %arg21[%get3A_184, %get3A_185, %get3A_186] {strides = array<i32>} : memref<2x512x16xf32, #tpu.memory_space<vmem>>, vector<16xf32>,
          %mul3A_188 = vector.broadcast %squeeze3A_178 : f32 to vector<16xf32>
          %mul3A_189 = arith.mulf %get3A_187, %mul3A_188 : vector<16xf32>
          %swap3A_190 = arith.constant 1 : i32
          %swap3A_191 = arith.index_cast %swap3A_190 : i32 to index
          %swap3A_192 = arith.index_cast %add3A_182 : i32 to index
          %swap3A_193 = arith.constant 0 : index
          %swap3A_194 = tpu.vector_load %arg21[%swap3A_191, %swap3A_192, %swap3A_193] {strides = array<i32>} : memref<2x512x16xf32, #tpu.memory_space<vmem>>, vector<16xf32>,
          tpu.vector_store %arg21[%swap3A_191, %swap3A_192, %swap3A_193], %mul3A_189 {strides = array<i32>} : memref<2x512x16xf32, #tpu.memory_space<vmem>>, vector<16xf32>,
          %slice3A_195 = vector.extract_strided_slice %get3A_143 {offsets = [3], sizes = [1], strides = [1]} : vector<16xf32> to vector<1xf32>
          %squeeze3A_196 = vector.extract %slice3A_195[0] : f32 from vector<1xf32>
          %mul3A_197 = arith.constant 16 : i32
          %mul3A_198 = arith.muli %add3A_138, %mul3A_197 : i32
          %add3A_199 = arith.constant 3 : i32
          %add3A_200 = arith.addi %mul3A_198, %add3A_199 : i32
          %get3A_201 = arith.constant 1 : i32
          %get3A_202 = arith.index_cast %get3A_201 : i32 to index
          %get3A_203 = arith.index_cast %add3A_200 : i32 to index
          %get3A_204 = arith.constant 0 : index
          %get3A_205 = tpu.vector_load %arg21[%get3A_202, %get3A_203, %get3A_204] {strides = array<i32>} : memref<2x512x16xf32, #tpu.memory_space<vmem>>, vector<16xf32>,
          %mul3A_206 = vector.broadcast %squeeze3A_196 : f32 to vector<16xf32>
          %mul3A_207 = arith.mulf %get3A_205, %mul3A_206 : vector<16xf32>
          %swap3A_208 = arith.constant 1 : i32
          %swap3A_209 = arith.index_cast %swap3A_208 : i32 to index
          %swap3A_210 = arith.index_cast %add3A_200 : i32 to index
          %swap3A_211 = arith.constant 0 : index
          %swap3A_212 = tpu.vector_load %arg21[%swap3A_209, %swap3A_210, %swap3A_211] {strides = array<i32>} : memref<2x512x16xf32, #tpu.memory_space<vmem>>, vector<16xf32>,
          tpu.vector_store %arg21[%swap3A_209, %swap3A_210, %swap3A_211], %mul3A_207 {strides = array<i32>} : memref<2x512x16xf32, #tpu.memory_space<vmem>>, vector<16xf32>,
          %slice3A_213 = vector.extract_strided_slice %get3A_143 {offsets = [4], sizes = [1], strides = [1]} : vector<16xf32> to vector<1xf32>
          %squeeze3A_214 = vector.extract %slice3A_213[0] : f32 from vector<1xf32>
          %mul3A_215 = arith.constant 16 : i32
          %mul3A_216 = arith.muli %add3A_138, %mul3A_215 : i32
          %add3A_217 = arith.constant 4 : i32
          %add3A_218 = arith.addi %mul3A_216, %add3A_217 : i32
          %get3A_219 = arith.constant 1 : i32
          %get3A_220 = arith.index_cast %get3A_219 : i32 to index
          %get3A_221 = arith.index_cast %add3A_218 : i32 to index
          %get3A_222 = arith.constant 0 : index
          %get3A_223 = tpu.vector_load %arg21[%get3A_220, %get3A_221, %get3A_222] {strides = array<i32>} : memref<2x512x16xf32, #tpu.memory_space<vmem>>, vector<16xf32>,
          %mul3A_224 = vector.broadcast %squeeze3A_214 : f32 to vector<16xf32>
          %mul3A_225 = arith.mulf %get3A_223, %mul3A_224 : vector<16xf32>
          %swap3A_226 = arith.constant 1 : i32
          %swap3A_227 = arith.index_cast %swap3A_226 : i32 to index
          %swap3A_228 = arith.index_cast %add3A_218 : i32 to index
          %swap3A_229 = arith.constant 0 : index
          %swap3A_230 = tpu.vector_load %arg21[%swap3A_227, %swap3A_228, %swap3A_229] {strides = array<i32>} : memref<2x512x16xf32, #tpu.memory_space<vmem>>, vector<16xf32>,
          tpu.vector_store %arg21[%swap3A_227, %swap3A_228, %swap3A_229], %mul3A_225 {strides = array<i32>} : memref<2x512x16xf32, #tpu.memory_space<vmem>>, vector<16xf32>,
          %slice3A_231 = vector.extract_strided_slice %get3A_143 {offsets = [5], sizes = [1], strides = [1]} : vector<16xf32> to vector<1xf32>
          %squeeze3A_232 = vector.extract %slice3A_231[0] : f32 from vector<1xf32>
          %mul3A_233 = arith.constant 16 : i32
          %mul3A_234 = arith.muli %add3A_138, %mul3A_233 : i32
          %add3A_235 = arith.constant 5 : i32
          %add3A_236 = arith.addi %mul3A_234, %add3A_235 : i32
          %get3A_237 = arith.constant 1 : i32
          %get3A_238 = arith.index_cast %get3A_237 : i32 to index
          %get3A_239 = arith.index_cast %add3A_236 : i32 to index
          %get3A_240 = arith.constant 0 : index
          %get3A_241 = tpu.vector_load %arg21[%get3A_238, %get3A_239, %get3A_240] {strides = array<i32>} : memref<2x512x16xf32, #tpu.memory_space<vmem>>, vector<16xf32>,
          %mul3A_242 = vector.broadcast %squeeze3A_232 : f32 to vector<16xf32>
          %mul3A_243 = arith.mulf %get3A_241, %mul3A_242 : vector<16xf32>
          %swap3A_244 = arith.constant 1 : i32
          %swap3A_245 = arith.index_cast %swap3A_244 : i32 to index
          %swap3A_246 = arith.index_cast %add3A_236 : i32 to index
          %swap3A_247 = arith.constant 0 : index
          %swap3A_248 = tpu.vector_load %arg21[%swap3A_245, %swap3A_246, %swap3A_247] {strides = array<i32>} : memref<2x512x16xf32, #tpu.memory_space<vmem>>, vector<16xf32>,
          tpu.vector_store %arg21[%swap3A_245, %swap3A_246, %swap3A_247], %mul3A_243 {strides = array<i32>} : memref<2x512x16xf32, #tpu.memory_space<vmem>>, vector<16xf32>,
          %slice3A_249 = vector.extract_strided_slice %get3A_143 {offsets = [6], sizes = [1], strides = [1]} : vector<16xf32> to vector<1xf32>
          %squeeze3A_250 = vector.extract %slice3A_249[0] : f32 from vector<1xf32>
          %mul3A_251 = arith.constant 16 : i32
          %mul3A_252 = arith.muli %add3A_138, %mul3A_251 : i32
          %add3A_253 = arith.constant 6 : i32
          %add3A_254 = arith.addi %mul3A_252, %add3A_253 : i32
          %get3A_255 = arith.constant 1 : i32
          %get3A_256 = arith.index_cast %get3A_255 : i32 to index
          %get3A_257 = arith.index_cast %add3A_254 : i32 to index
          %get3A_258 = arith.constant 0 : index
          %get3A_259 = tpu.vector_load %arg21[%get3A_256, %get3A_257, %get3A_258] {strides = array<i32>} : memref<2x512x16xf32, #tpu.memory_space<vmem>>, vector<16xf32>,
          %mul3A_260 = vector.broadcast %squeeze3A_250 : f32 to vector<16xf32>
          %mul3A_261 = arith.mulf %get3A_259, %mul3A_260 : vector<16xf32>
          %swap3A_262 = arith.constant 1 : i32
          %swap3A_263 = arith.index_cast %swap3A_262 : i32 to index
          %swap3A_264 = arith.index_cast %add3A_254 : i32 to index
          %swap3A_265 = arith.constant 0 : index
          %swap3A_266 = tpu.vector_load %arg21[%swap3A_263, %swap3A_264, %swap3A_265] {strides = array<i32>} : memref<2x512x16xf32, #tpu.memory_space<vmem>>, vector<16xf32>,
          tpu.vector_store %arg21[%swap3A_263, %swap3A_264, %swap3A_265], %mul3A_261 {strides = array<i32>} : memref<2x512x16xf32, #tpu.memory_space<vmem>>, vector<16xf32>,
          %slice3A_267 = vector.extract_strided_slice %get3A_143 {offsets = [7], sizes = [1], strides = [1]} : vector<16xf32> to vector<1xf32>
          %squeeze3A_268 = vector.extract %slice3A_267[0] : f32 from vector<1xf32>
          %mul3A_269 = arith.constant 16 : i32
          %mul3A_270 = arith.muli %add3A_138, %mul3A_269 : i32
          %add3A_271 = arith.constant 7 : i32
          %add3A_272 = arith.addi %mul3A_270, %add3A_271 : i32
          %get3A_273 = arith.constant 1 : i32
          %get3A_274 = arith.index_cast %get3A_273 : i32 to index
          %get3A_275 = arith.index_cast %add3A_272 : i32 to index
          %get3A_276 = arith.constant 0 : index
          %get3A_277 = tpu.vector_load %arg21[%get3A_274, %get3A_275, %get3A_276] {strides = array<i32>} : memref<2x512x16xf32, #tpu.memory_space<vmem>>, vector<16xf32>,
          %mul3A_278 = vector.broadcast %squeeze3A_268 : f32 to vector<16xf32>
          %mul3A_279 = arith.mulf %get3A_277, %mul3A_278 : vector<16xf32>
          %swap3A_280 = arith.constant 1 : i32
          %swap3A_281 = arith.index_cast %swap3A_280 : i32 to index
          %swap3A_282 = arith.index_cast %add3A_272 : i32 to index
          %swap3A_283 = arith.constant 0 : index
          %swap3A_284 = tpu.vector_load %arg21[%swap3A_281, %swap3A_282, %swap3A_283] {strides = array<i32>} : memref<2x512x16xf32, #tpu.memory_space<vmem>>, vector<16xf32>,
          tpu.vector_store %arg21[%swap3A_281, %swap3A_282, %swap3A_283], %mul3A_279 {strides = array<i32>} : memref<2x512x16xf32, #tpu.memory_space<vmem>>, vector<16xf32>,
          %slice3A_285 = vector.extract_strided_slice %get3A_143 {offsets = [8], sizes = [1], strides = [1]} : vector<16xf32> to vector<1xf32>
          %squeeze3A_286 = vector.extract %slice3A_285[0] : f32 from vector<1xf32>
          %mul3A_287 = arith.constant 16 : i32
          %mul3A_288 = arith.muli %add3A_138, %mul3A_287 : i32
          %add3A_289 = arith.constant 8 : i32
          %add3A_290 = arith.addi %mul3A_288, %add3A_289 : i32
          %get3A_291 = arith.constant 1 : i32
          %get3A_292 = arith.index_cast %get3A_291 : i32 to index
          %get3A_293 = arith.index_cast %add3A_290 : i32 to index
          %get3A_294 = arith.constant 0 : index
          %get3A_295 = tpu.vector_load %arg21[%get3A_292, %get3A_293, %get3A_294] {strides = array<i32>} : memref<2x512x16xf32, #tpu.memory_space<vmem>>, vector<16xf32>,
          %mul3A_296 = vector.broadcast %squeeze3A_286 : f32 to vector<16xf32>
          %mul3A_297 = arith.mulf %get3A_295, %mul3A_296 : vector<16xf32>
          %swap3A_298 = arith.constant 1 : i32
          %swap3A_299 = arith.index_cast %swap3A_298 : i32 to index
          %swap3A_300 = arith.index_cast %add3A_290 : i32 to index
          %swap3A_301 = arith.constant 0 : index
          %swap3A_302 = tpu.vector_load %arg21[%swap3A_299, %swap3A_300, %swap3A_301] {strides = array<i32>} : memref<2x512x16xf32, #tpu.memory_space<vmem>>, vector<16xf32>,
          tpu.vector_store %arg21[%swap3A_299, %swap3A_300, %swap3A_301], %mul3A_297 {strides = array<i32>} : memref<2x512x16xf32, #tpu.memory_space<vmem>>, vector<16xf32>,
          %slice3A_303 = vector.extract_strided_slice %get3A_143 {offsets = [9], sizes = [1], strides = [1]} : vector<16xf32> to vector<1xf32>
          %squeeze3A_304 = vector.extract %slice3A_303[0] : f32 from vector<1xf32>
          %mul3A_305 = arith.constant 16 : i32
          %mul3A_306 = arith.muli %add3A_138, %mul3A_305 : i32
          %add3A_307 = arith.constant 9 : i32
          %add3A_308 = arith.addi %mul3A_306, %add3A_307 : i32
          %get3A_309 = arith.constant 1 : i32
          %get3A_310 = arith.index_cast %get3A_309 : i32 to index
          %get3A_311 = arith.index_cast %add3A_308 : i32 to index
          %get3A_312 = arith.constant 0 : index
          %get3A_313 = tpu.vector_load %arg21[%get3A_310, %get3A_311, %get3A_312] {strides = array<i32>} : memref<2x512x16xf32, #tpu.memory_space<vmem>>, vector<16xf32>,
          %mul3A_314 = vector.broadcast %squeeze3A_304 : f32 to vector<16xf32>
          %mul3A_315 = arith.mulf %get3A_313, %mul3A_314 : vector<16xf32>
          %swap3A_316 = arith.constant 1 : i32
          %swap3A_317 = arith.index_cast %swap3A_316 : i32 to index
          %swap3A_318 = arith.index_cast %add3A_308 : i32 to index
          %swap3A_319 = arith.constant 0 : index
          %swap3A_320 = tpu.vector_load %arg21[%swap3A_317, %swap3A_318, %swap3A_319] {strides = array<i32>} : memref<2x512x16xf32, #tpu.memory_space<vmem>>, vector<16xf32>,
          tpu.vector_store %arg21[%swap3A_317, %swap3A_318, %swap3A_319], %mul3A_315 {strides = array<i32>} : memref<2x512x16xf32, #tpu.memory_space<vmem>>, vector<16xf32>,
          %slice3A_321 = vector.extract_strided_slice %get3A_143 {offsets = [10], sizes = [1], strides = [1]} : vector<16xf32> to vector<1xf32>
          %squeeze3A_322 = vector.extract %slice3A_321[0] : f32 from vector<1xf32>
          %mul3A_323 = arith.constant 16 : i32
          %mul3A_324 = arith.muli %add3A_138, %mul3A_323 : i32
          %add3A_325 = arith.constant 10 : i32
          %add3A_326 = arith.addi %mul3A_324, %add3A_325 : i32
          %get3A_327 = arith.constant 1 : i32
          %get3A_328 = arith.index_cast %get3A_327 : i32 to index
          %get3A_329 = arith.index_cast %add3A_326 : i32 to index
          %get3A_330 = arith.constant 0 : index
          %get3A_331 = tpu.vector_load %arg21[%get3A_328, %get3A_329, %get3A_330] {strides = array<i32>} : memref<2x512x16xf32, #tpu.memory_space<vmem>>, vector<16xf32>,
          %mul3A_332 = vector.broadcast %squeeze3A_322 : f32 to vector<16xf32>
          %mul3A_333 = arith.mulf %get3A_331, %mul3A_332 : vector<16xf32>
          %swap3A_334 = arith.constant 1 : i32
          %swap3A_335 = arith.index_cast %swap3A_334 : i32 to index
          %swap3A_336 = arith.index_cast %add3A_326 : i32 to index
          %swap3A_337 = arith.constant 0 : index
          %swap3A_338 = tpu.vector_load %arg21[%swap3A_335, %swap3A_336, %swap3A_337] {strides = array<i32>} : memref<2x512x16xf32, #tpu.memory_space<vmem>>, vector<16xf32>,
          tpu.vector_store %arg21[%swap3A_335, %swap3A_336, %swap3A_337], %mul3A_333 {strides = array<i32>} : memref<2x512x16xf32, #tpu.memory_space<vmem>>, vector<16xf32>,
          %slice3A_339 = vector.extract_strided_slice %get3A_143 {offsets = [11], sizes = [1], strides = [1]} : vector<16xf32> to vector<1xf32>
          %squeeze3A_340 = vector.extract %slice3A_339[0] : f32 from vector<1xf32>
          %mul3A_341 = arith.constant 16 : i32
          %mul3A_342 = arith.muli %add3A_138, %mul3A_341 : i32
          %add3A_343 = arith.constant 11 : i32
          %add3A_344 = arith.addi %mul3A_342, %add3A_343 : i32
          %get3A_345 = arith.constant 1 : i32
          %get3A_346 = arith.index_cast %get3A_345 : i32 to index
          %get3A_347 = arith.index_cast %add3A_344 : i32 to index
          %get3A_348 = arith.constant 0 : index
          %get3A_349 = tpu.vector_load %arg21[%get3A_346, %get3A_347, %get3A_348] {strides = array<i32>} : memref<2x512x16xf32, #tpu.memory_space<vmem>>, vector<16xf32>,
          %mul3A_350 = vector.broadcast %squeeze3A_340 : f32 to vector<16xf32>
          %mul3A_351 = arith.mulf %get3A_349, %mul3A_350 : vector<16xf32>
          %swap3A_352 = arith.constant 1 : i32
          %swap3A_353 = arith.index_cast %swap3A_352 : i32 to index
          %swap3A_354 = arith.index_cast %add3A_344 : i32 to index
          %swap3A_355 = arith.constant 0 : index
          %swap3A_356 = tpu.vector_load %arg21[%swap3A_353, %swap3A_354, %swap3A_355] {strides = array<i32>} : memref<2x512x16xf32, #tpu.memory_space<vmem>>, vector<16xf32>,
          tpu.vector_store %arg21[%swap3A_353, %swap3A_354, %swap3A_355], %mul3A_351 {strides = array<i32>} : memref<2x512x16xf32, #tpu.memory_space<vmem>>, vector<16xf32>,
          %slice3A_357 = vector.extract_strided_slice %get3A_143 {offsets = [12], sizes = [1], strides = [1]} : vector<16xf32> to vector<1xf32>
          %squeeze3A_358 = vector.extract %slice3A_357[0] : f32 from vector<1xf32>
          %mul3A_359 = arith.constant 16 : i32
          %mul3A_360 = arith.muli %add3A_138, %mul3A_359 : i32
          %add3A_361 = arith.constant 12 : i32
          %add3A_362 = arith.addi %mul3A_360, %add3A_361 : i32
          %get3A_363 = arith.constant 1 : i32
          %get3A_364 = arith.index_cast %get3A_363 : i32 to index
          %get3A_365 = arith.index_cast %add3A_362 : i32 to index
          %get3A_366 = arith.constant 0 : index
          %get3A_367 = tpu.vector_load %arg21[%get3A_364, %get3A_365, %get3A_366] {strides = array<i32>} : memref<2x512x16xf32, #tpu.memory_space<vmem>>, vector<16xf32>,
          %mul3A_368 = vector.broadcast %squeeze3A_358 : f32 to vector<16xf32>
          %mul3A_369 = arith.mulf %get3A_367, %mul3A_368 : vector<16xf32>
          %swap3A_370 = arith.constant 1 : i32
          %swap3A_371 = arith.index_cast %swap3A_370 : i32 to index
          %swap3A_372 = arith.index_cast %add3A_362 : i32 to index
          %swap3A_373 = arith.constant 0 : index
          %swap3A_374 = tpu.vector_load %arg21[%swap3A_371, %swap3A_372, %swap3A_373] {strides = array<i32>} : memref<2x512x16xf32, #tpu.memory_space<vmem>>, vector<16xf32>,
          tpu.vector_store %arg21[%swap3A_371, %swap3A_372, %swap3A_373], %mul3A_369 {strides = array<i32>} : memref<2x512x16xf32, #tpu.memory_space<vmem>>, vector<16xf32>,
          %slice3A_375 = vector.extract_strided_slice %get3A_143 {offsets = [13], sizes = [1], strides = [1]} : vector<16xf32> to vector<1xf32>
          %squeeze3A_376 = vector.extract %slice3A_375[0] : f32 from vector<1xf32>
          %mul3A_377 = arith.constant 16 : i32
          %mul3A_378 = arith.muli %add3A_138, %mul3A_377 : i32
          %add3A_379 = arith.constant 13 : i32
          %add3A_380 = arith.addi %mul3A_378, %add3A_379 : i32
          %get3A_381 = arith.constant 1 : i32
          %get3A_382 = arith.index_cast %get3A_381 : i32 to index
          %get3A_383 = arith.index_cast %add3A_380 : i32 to index
          %get3A_384 = arith.constant 0 : index
          %get3A_385 = tpu.vector_load %arg21[%get3A_382, %get3A_383, %get3A_384] {strides = array<i32>} : memref<2x512x16xf32, #tpu.memory_space<vmem>>, vector<16xf32>,
          %mul3A_386 = vector.broadcast %squeeze3A_376 : f32 to vector<16xf32>
          %mul3A_387 = arith.mulf %get3A_385, %mul3A_386 : vector<16xf32>
          %swap3A_388 = arith.constant 1 : i32
          %swap3A_389 = arith.index_cast %swap3A_388 : i32 to index
          %swap3A_390 = arith.index_cast %add3A_380 : i32 to index
          %swap3A_391 = arith.constant 0 : index
          %swap3A_392 = tpu.vector_load %arg21[%swap3A_389, %swap3A_390, %swap3A_391] {strides = array<i32>} : memref<2x512x16xf32, #tpu.memory_space<vmem>>, vector<16xf32>,
          tpu.vector_store %arg21[%swap3A_389, %swap3A_390, %swap3A_391], %mul3A_387 {strides = array<i32>} : memref<2x512x16xf32, #tpu.memory_space<vmem>>, vector<16xf32>,
          %slice3A_393 = vector.extract_strided_slice %get3A_143 {offsets = [14], sizes = [1], strides = [1]} : vector<16xf32> to vector<1xf32>
          %squeeze3A_394 = vector.extract %slice3A_393[0] : f32 from vector<1xf32>
          %mul3A_395 = arith.constant 16 : i32
          %mul3A_396 = arith.muli %add3A_138, %mul3A_395 : i32
          %add3A_397 = arith.constant 14 : i32
          %add3A_398 = arith.addi %mul3A_396, %add3A_397 : i32
          %get3A_399 = arith.constant 1 : i32
          %get3A_400 = arith.index_cast %get3A_399 : i32 to index
          %get3A_401 = arith.index_cast %add3A_398 : i32 to index
          %get3A_402 = arith.constant 0 : index
          %get3A_403 = tpu.vector_load %arg21[%get3A_400, %get3A_401, %get3A_402] {strides = array<i32>} : memref<2x512x16xf32, #tpu.memory_space<vmem>>, vector<16xf32>,
          %mul3A_404 = vector.broadcast %squeeze3A_394 : f32 to vector<16xf32>
          %mul3A_405 = arith.mulf %get3A_403, %mul3A_404 : vector<16xf32>
          %swap3A_406 = arith.constant 1 : i32
          %swap3A_407 = arith.index_cast %swap3A_406 : i32 to index
          %swap3A_408 = arith.index_cast %add3A_398 : i32 to index
          %swap3A_409 = arith.constant 0 : index
          %swap3A_410 = tpu.vector_load %arg21[%swap3A_407, %swap3A_408, %swap3A_409] {strides = array<i32>} : memref<2x512x16xf32, #tpu.memory_space<vmem>>, vector<16xf32>,
          tpu.vector_store %arg21[%swap3A_407, %swap3A_408, %swap3A_409], %mul3A_405 {strides = array<i32>} : memref<2x512x16xf32, #tpu.memory_space<vmem>>, vector<16xf32>,
          %slice3A_411 = vector.extract_strided_slice %get3A_143 {offsets = [15], sizes = [1], strides = [1]} : vector<16xf32> to vector<1xf32>
          %squeeze3A_412 = vector.extract %slice3A_411[0] : f32 from vector<1xf32>
          %mul3A_413 = arith.constant 16 : i32
          %mul3A_414 = arith.muli %add3A_138, %mul3A_413 : i32
          %add3A_415 = arith.constant 15 : i32
          %add3A_416 = arith.addi %mul3A_414, %add3A_415 : i32
          %get3A_417 = arith.constant 1 : i32
          %get3A_418 = arith.index_cast %get3A_417 : i32 to index
          %get3A_419 = arith.index_cast %add3A_416 : i32 to index
          %get3A_420 = arith.constant 0 : index
          %get3A_421 = tpu.vector_load %arg21[%get3A_418, %get3A_419, %get3A_420] {strides = array<i32>} : memref<2x512x16xf32, #tpu.memory_space<vmem>>, vector<16xf32>,
          %mul3A_422 = vector.broadcast %squeeze3A_412 : f32 to vector<16xf32>
          %mul3A_423 = arith.mulf %get3A_421, %mul3A_422 : vector<16xf32>
          %swap3A_424 = arith.constant 1 : i32
          %swap3A_425 = arith.index_cast %swap3A_424 : i32 to index
          %swap3A_426 = arith.index_cast %add3A_416 : i32 to index
          %swap3A_427 = arith.constant 0 : index
          %swap3A_428 = tpu.vector_load %arg21[%swap3A_425, %swap3A_426, %swap3A_427] {strides = array<i32>} : memref<2x512x16xf32, #tpu.memory_space<vmem>>, vector<16xf32>,
          tpu.vector_store %arg21[%swap3A_425, %swap3A_426, %swap3A_427], %mul3A_423 {strides = array<i32>} : memref<2x512x16xf32, #tpu.memory_space<vmem>>, vector<16xf32>,
        }
        %scan3A_131 = arith.constant 32 : i32
        %run_scoped3A_132 = arith.constant 1 : i32
        "tpu.region"() ({
          %run_scoped3A_134 = tpu.sem_alloc : memref<!tpu.dma_semaphore, #tpu.memory_space<semaphore_mem>>
          %dma_start3A_135 = arith.constant 0 : i32
          %dma_start3A_136 = arith.constant 0 : i32
          %dma_start3A_137 = tpu.memref_slice %arg21[%run_scoped3A_132, %dma_start3A_135, %dma_start3A_136] : memref<2x512x16xf32, #tpu.memory_space<vmem>> -> memref<1x512x16xf32, #tpu.memory_space<vmem>>
          %dma_start3A_138 = tpu.memref_squeeze %dma_start3A_137 : memref<1x512x16xf32, #tpu.memory_space<vmem>> -> memref<512x16xf32, #tpu.memory_space<vmem>>
          %dma_start3A_139 = arith.constant 0 : i32
          %dma_start3A_140 = tpu.memref_slice %arg19[%add3A_108, %dma_start3A_139] : memref<20x512xi32, #tpu.memory_space<vmem>> -> memref<1x512xi32, #tpu.memory_space<vmem>>
          %dma_start3A_141 = tpu.memref_squeeze %dma_start3A_140 : memref<1x512xi32, #tpu.memory_space<vmem>> -> memref<512xi32, #tpu.memory_space<vmem>>
          %dma_start3A_142 = arith.constant 0 : i32
          %dma_start3A_143 = arith.constant 0 : i32
          %dma_start3A_144 = tpu.memref_slice %arg23[%dma_start3A_142, %dma_start3A_143] : memref<10240x16xf32, #tpu.memory_space<vmem_shared>> -> memref<10240x16xf32, #tpu.memory_space<vmem_shared>>
          tpu.enqueue_indirect_dma source(%dma_start3A_138 : memref<512x16xf32, #tpu.memory_space<vmem>>) target(%dma_start3A_144 : memref<10240x16xf32, #tpu.memory_space<vmem_shared>>) offsets(%dma_start3A_141 : memref<512xi32, #tpu.memory_space<vmem>>) semaphore(%run_scoped3A_134 : memref<!tpu.dma_semaphore, #tpu.memory_space<semaphore_mem>>) {add = true}
          %dma_wait3A_145 = arith.constant 0 : i32
          %dma_wait3A_146 = arith.constant 0 : i32
          %dma_wait3A_147 = tpu.memref_slice %arg21[%run_scoped3A_132, %dma_wait3A_145, %dma_wait3A_146] : memref<2x512x16xf32, #tpu.memory_space<vmem>> -> memref<1x512x16xf32, #tpu.memory_space<vmem>>
          %dma_wait3A_148 = tpu.memref_squeeze %dma_wait3A_147 : memref<1x512x16xf32, #tpu.memory_space<vmem>> -> memref<512x16xf32, #tpu.memory_space<vmem>>
          %dma_wait3A_149 = arith.constant 0 : i32
          %dma_wait3A_150 = tpu.memref_slice %arg19[%add3A_108, %dma_wait3A_149] : memref<20x512xi32, #tpu.memory_space<vmem>> -> memref<1x512xi32, #tpu.memory_space<vmem>>
          %dma_wait3A_151 = tpu.memref_squeeze %dma_wait3A_150 : memref<1x512xi32, #tpu.memory_space<vmem>> -> memref<512xi32, #tpu.memory_space<vmem>>
          %dma_wait3A_152 = arith.constant 0 : i32
          %dma_wait3A_153 = arith.constant 0 : i32
          %dma_wait3A_154 = tpu.memref_slice %arg23[%dma_wait3A_152, %dma_wait3A_153] : memref<10240x16xf32, #tpu.memory_space<vmem_shared>> -> memref<10240x16xf32, #tpu.memory_space<vmem_shared>>
          tpu.wait_indirect_dma semaphore(%run_scoped3A_134 : memref<!tpu.dma_semaphore, #tpu.memory_space<semaphore_mem>>) src(%dma_wait3A_148 : memref<512x16xf32, #tpu.memory_space<vmem>>) dst(%dma_wait3A_154 : memref<10240x16xf32, #tpu.memory_space<vmem_shared>>)
          tpu.yield
        }) : () -> ()
        %scan3A_133 = arith.constant 0 : i32
        scf.yield %scan3A_133 : i32
      }
      %scan3A_64 = arith.constant 10 : i32
      %barrier3A_65 = arith.constant 0 : index
      tpu.barrier barrier_id(%barrier3A_65)
      %mul3A_66 = arith.constant 16 : i32
      %mul3A_67 = arith.muli %add3A_38, %mul3A_66 : i32
      %eq3A_68 = arith.constant 0 : i32
      %eq3A_69 = arith.cmpi eq, %arg0, %eq3A_68 : i32
      %convert_element_type3A_70 = arith.extui %eq3A_69 : i1 to i32
      %cond3A_71 = arith.constant 0 : i32
      %cond3A_72 = arith.cmpi ne, %convert_element_type3A_70, %cond3A_71 : i32
      scf.if %cond3A_72 {
        "tpu.region"() ({
          %run_scoped3A = tpu.sem_alloc : memref<!tpu.dma_semaphore, #tpu.memory_space<semaphore_mem>>
          %dma_start3A_78 = tpu.memref_slice %arg11[%mul3A_21, %mul3A_67] : memref<10240x128xf32, #tpu.memory_space<hbm>> -> memref<640x16xf32, #tpu.memory_space<hbm>>
          %dma_start3A_79 = arith.constant 0 : i32
          %dma_start3A_80 = tpu.memref_slice %arg23[%mul3A_21, %dma_start3A_79] : memref<10240x16xf32, #tpu.memory_space<vmem_shared>> -> memref<640x16xf32, #tpu.memory_space<vmem_shared>>
          tpu.enqueue_dma source(%dma_start3A_80 : memref<640x16xf32, #tpu.memory_space<vmem_shared>>) target(%dma_start3A_78 : memref<640x16xf32, #tpu.memory_space<hbm>>) target_semaphore(%run_scoped3A : memref<!tpu.dma_semaphore, #tpu.memory_space<semaphore_mem>>)
          %dma_wait3A = tpu.memref_slice %arg11[%mul3A_21, %mul3A_67] : memref<10240x128xf32, #tpu.memory_space<hbm>> -> memref<640x16xf32, #tpu.memory_space<hbm>>
          %dma_wait3A_81 = arith.constant 0 : i32
          %dma_wait3A_82 = tpu.memref_slice %arg23[%mul3A_21, %dma_wait3A_81] : memref<10240x16xf32, #tpu.memory_space<vmem_shared>> -> memref<640x16xf32, #tpu.memory_space<vmem_shared>>
          tpu.wait_dma2 semaphore(%run_scoped3A : memref<!tpu.dma_semaphore, #tpu.memory_space<semaphore_mem>>) src(%dma_wait3A_82 : memref<640x16xf32, #tpu.memory_space<vmem_shared>>) dst(%dma_wait3A : memref<640x16xf32, #tpu.memory_space<hbm>>)
          tpu.yield
        }) : () -> ()
      } else {
      }
      %eq3A_73 = arith.constant 1 : i32
      %eq3A_74 = arith.cmpi eq, %arg0, %eq3A_73 : i32
      %convert_element_type3A_75 = arith.extui %eq3A_74 : i1 to i32
      %cond3A_76 = arith.constant 0 : i32
      %cond3A_77 = arith.cmpi ne, %convert_element_type3A_75, %cond3A_76 : i32
      scf.if %cond3A_77 {
        "tpu.region"() ({
          %run_scoped3A = tpu.sem_alloc : memref<!tpu.dma_semaphore, #tpu.memory_space<semaphore_mem>>
          %dma_start3A_78 = tpu.memref_slice %arg12[%mul3A_21, %mul3A_67] : memref<10240x128xf32, #tpu.memory_space<hbm>> -> memref<640x16xf32, #tpu.memory_space<hbm>>
          %dma_start3A_79 = arith.constant 0 : i32
          %dma_start3A_80 = tpu.memref_slice %arg23[%mul3A_21, %dma_start3A_79] : memref<10240x16xf32, #tpu.memory_space<vmem_shared>> -> memref<640x16xf32, #tpu.memory_space<vmem_shared>>
          tpu.enqueue_dma source(%dma_start3A_80 : memref<640x16xf32, #tpu.memory_space<vmem_shared>>) target(%dma_start3A_78 : memref<640x16xf32, #tpu.memory_space<hbm>>) target_semaphore(%run_scoped3A : memref<!tpu.dma_semaphore, #tpu.memory_space<semaphore_mem>>)
          %dma_wait3A = tpu.memref_slice %arg12[%mul3A_21, %mul3A_67] : memref<10240x128xf32, #tpu.memory_space<hbm>> -> memref<640x16xf32, #tpu.memory_space<hbm>>
          %dma_wait3A_81 = arith.constant 0 : i32
          %dma_wait3A_82 = tpu.memref_slice %arg23[%mul3A_21, %dma_wait3A_81] : memref<10240x16xf32, #tpu.memory_space<vmem_shared>> -> memref<640x16xf32, #tpu.memory_space<vmem_shared>>
          tpu.wait_dma2 semaphore(%run_scoped3A : memref<!tpu.dma_semaphore, #tpu.memory_space<semaphore_mem>>) src(%dma_wait3A_82 : memref<640x16xf32, #tpu.memory_space<vmem_shared>>) dst(%dma_wait3A : memref<640x16xf32, #tpu.memory_space<hbm>>)
          tpu.yield
        }) : () -> ()
      } else {
      }
    }
    %scan3A_33 = arith.constant 8 : i32
    return
  }
}

module attributes {stable_mosaic.version = 14 : i64} {
  func.func @body(%arg0: i32, %arg1: memref<1000x128xf32, #tpu.memory_space<vmem>>, %arg2: memref<128x128xf32, #tpu.memory_space<vmem>>, %arg3: memref<1x128xf32, #tpu.memory_space<vmem>>, %arg4: memref<128x32xf32, #tpu.memory_space<vmem>>, %arg5: memref<128x128xf32, #tpu.memory_space<vmem>>, %arg6: memref<1x128xf32, #tpu.memory_space<vmem>>, %arg7: memref<128x32xf32, #tpu.memory_space<vmem>>, %arg8: memref<128x128xf32, #tpu.memory_space<vmem>>, %arg9: memref<1x128xf32, #tpu.memory_space<vmem>>, %arg10: memref<128x32xf32, #tpu.memory_space<vmem>>, %arg11: memref<1000x32xf32, #tpu.memory_space<vmem>>, %arg12: memref<1000x32xf32, #tpu.memory_space<vmem>>, %arg13: memref<1000x32xf32, #tpu.memory_space<vmem>>, %arg14: memref<1x128xf32, #tpu.memory_space<vmem>>, %arg15: memref<1x128xf32, #tpu.memory_space<vmem>>, %arg16: memref<1x128xf32, #tpu.memory_space<vmem>>) attributes {dimension_semantics = [#tpu.dimension_semantics<arbitrary>], iteration_bounds = array<i64: 10>, scalar_prefetch = 0 : i64, scratch_operands = 0 : i64, tpu.core_type = #tpu.core_type<tc>, window_params = [{transform_indices = @transform_0, window_bounds = array<i64: 1000, 128>}, {pipeline_mode = #tpu.pipeline_mode<synchronous>, transform_indices = @transform_1, window_bounds = array<i64: 128, 128>}, {pipeline_mode = #tpu.pipeline_mode<synchronous>, transform_indices = @transform_2, window_bounds = array<i64: 1, 128>}, {pipeline_mode = #tpu.pipeline_mode<synchronous>, transform_indices = @transform_3, window_bounds = array<i64: 128, 32>}, {pipeline_mode = #tpu.pipeline_mode<synchronous>, transform_indices = @transform_4, window_bounds = array<i64: 128, 128>}, {pipeline_mode = #tpu.pipeline_mode<synchronous>, transform_indices = @transform_5, window_bounds = array<i64: 1, 128>}, {pipeline_mode = #tpu.pipeline_mode<synchronous>, transform_indices = @transform_6, window_bounds = array<i64: 128, 32>}, {pipeline_mode = #tpu.pipeline_mode<synchronous>, transform_indices = @transform_7, window_bounds = array<i64: 128, 128>}, {pipeline_mode = #tpu.pipeline_mode<synchronous>, transform_indices = @transform_8, window_bounds = array<i64: 1, 128>}, {pipeline_mode = #tpu.pipeline_mode<synchronous>, transform_indices = @transform_9, window_bounds = array<i64: 128, 32>}, {transform_indices = @transform_10, window_bounds = array<i64: 1000, 32>}, {transform_indices = @transform_11, window_bounds = array<i64: 1000, 32>}, {transform_indices = @transform_12, window_bounds = array<i64: 1000, 32>}, {pipeline_mode = #tpu.pipeline_mode<synchronous>, transform_indices = @transform_13, window_bounds = array<i64: 1, 128>}, {pipeline_mode = #tpu.pipeline_mode<synchronous>, transform_indices = @transform_14, window_bounds = array<i64: 1, 128>}, {pipeline_mode = #tpu.pipeline_mode<synchronous>, transform_indices = @transform_15, window_bounds = array<i64: 1, 128>}]} {
    %get3A = arith.constant 0 : index
    %get3A_0 = arith.constant 0 : index
    %get3A_1 = vector.load %arg1[%get3A, %get3A_0] : memref<1000x128xf32, #tpu.memory_space<vmem>>, vector<1000x128xf32>
    %ne3A = arith.cmpf one, %get3A_1, %get3A_1 : vector<1000x128xf32>
    %jit3A = arith.constant 0.000000e+00 : f32
    %broadcast_in_dim3A = vector.broadcast %jit3A : f32 to vector<1000x128xf32>
    %select_n3A = arith.select %ne3A, %broadcast_in_dim3A, %get3A_1 : vector<1000x128xi1>, vector<1000x128xf32>
    %get3A_2 = arith.constant 0 : index
    %get3A_3 = arith.constant 0 : index
    %get3A_4 = vector.load %arg2[%get3A_2, %get3A_3] : memref<128x128xf32, #tpu.memory_space<vmem>>, vector<128x128xf32>
    %dot_general3A = arith.constant dense<0.000000e+00> : vector<1000x128xf32>
    %dot_general3A_5 = tpu.matmul %select_n3A, %get3A_4, %dot_general3A {dimension_numbers = #tpu.dot_dimension_numbers<[1], [0], [0], [1], [0, 0, 1, 1], [], []>, precision = #tpu.contract_precision<fp32>, transpose_lhs_hint = false} : vector<1000x128xf32>, vector<128x128xf32>, vector<1000x128xf32> -> vector<1000x128xf32>
    %get3A_6 = arith.constant 0 : index
    %get3A_7 = arith.constant 0 : index
    %get3A_8 = vector.load %arg3[%get3A_6, %get3A_7] : memref<1x128xf32, #tpu.memory_space<vmem>>, vector<1x128xf32>
    %add3A = vector.broadcast %get3A_8 : vector<1x128xf32> to vector<1000x128xf32>
    %add3A_9 = arith.addf %dot_general3A_5, %add3A : vector<1000x128xf32>
    %get3A_10 = arith.constant 0 : index
    %get3A_11 = arith.constant 0 : index
    %get3A_12 = vector.load %arg4[%get3A_10, %get3A_11] : memref<128x32xf32, #tpu.memory_space<vmem>>, vector<128x32xf32>
    %dot_general3A_13 = arith.constant dense<0.000000e+00> : vector<1000x32xf32>
    %dot_general3A_14 = tpu.matmul %add3A_9, %get3A_12, %dot_general3A_13 {dimension_numbers = #tpu.dot_dimension_numbers<[1], [0], [0], [1], [0, 0, 1, 1], [], []>, precision = #tpu.contract_precision<fp32>, transpose_lhs_hint = false} : vector<1000x128xf32>, vector<128x32xf32>, vector<1000x32xf32> -> vector<1000x32xf32>
    %swap3A = arith.constant 0 : index
    %swap3A_15 = arith.constant 0 : index
    %swap3A_16 = vector.load %arg11[%swap3A, %swap3A_15] : memref<1000x32xf32, #tpu.memory_space<vmem>>, vector<1000x32xf32>
    tpu.vector_store %arg11[%swap3A, %swap3A_15], %dot_general3A_14 {strides = array<i32>} : memref<1000x32xf32, #tpu.memory_space<vmem>>, vector<1000x32xf32>,
    %get3A_17 = arith.constant 0 : index
    %get3A_18 = arith.constant 0 : index
    %get3A_19 = vector.load %arg5[%get3A_17, %get3A_18] : memref<128x128xf32, #tpu.memory_space<vmem>>, vector<128x128xf32>
    %dot_general3A_20 = arith.constant dense<0.000000e+00> : vector<1000x128xf32>
    %dot_general3A_21 = tpu.matmul %add3A_9, %get3A_19, %dot_general3A_20 {dimension_numbers = #tpu.dot_dimension_numbers<[1], [0], [0], [1], [0, 0, 1, 1], [], []>, precision = #tpu.contract_precision<fp32>, transpose_lhs_hint = false} : vector<1000x128xf32>, vector<128x128xf32>, vector<1000x128xf32> -> vector<1000x128xf32>
    %get3A_22 = arith.constant 0 : index
    %get3A_23 = arith.constant 0 : index
    %get3A_24 = vector.load %arg6[%get3A_22, %get3A_23] : memref<1x128xf32, #tpu.memory_space<vmem>>, vector<1x128xf32>
    %add3A_25 = vector.broadcast %get3A_24 : vector<1x128xf32> to vector<1000x128xf32>
    %add3A_26 = arith.addf %dot_general3A_21, %add3A_25 : vector<1000x128xf32>
    %get3A_27 = arith.constant 0 : index
    %get3A_28 = arith.constant 0 : index
    %get3A_29 = vector.load %arg7[%get3A_27, %get3A_28] : memref<128x32xf32, #tpu.memory_space<vmem>>, vector<128x32xf32>
    %dot_general3A_30 = arith.constant dense<0.000000e+00> : vector<1000x32xf32>
    %dot_general3A_31 = tpu.matmul %add3A_26, %get3A_29, %dot_general3A_30 {dimension_numbers = #tpu.dot_dimension_numbers<[1], [0], [0], [1], [0, 0, 1, 1], [], []>, precision = #tpu.contract_precision<fp32>, transpose_lhs_hint = false} : vector<1000x128xf32>, vector<128x32xf32>, vector<1000x32xf32> -> vector<1000x32xf32>
    %swap3A_32 = arith.constant 0 : index
    %swap3A_33 = arith.constant 0 : index
    %swap3A_34 = vector.load %arg12[%swap3A_32, %swap3A_33] : memref<1000x32xf32, #tpu.memory_space<vmem>>, vector<1000x32xf32>
    tpu.vector_store %arg12[%swap3A_32, %swap3A_33], %dot_general3A_31 {strides = array<i32>} : memref<1000x32xf32, #tpu.memory_space<vmem>>, vector<1000x32xf32>,
    %get3A_35 = arith.constant 0 : index
    %get3A_36 = arith.constant 0 : index
    %get3A_37 = vector.load %arg8[%get3A_35, %get3A_36] : memref<128x128xf32, #tpu.memory_space<vmem>>, vector<128x128xf32>
    %dot_general3A_38 = arith.constant dense<0.000000e+00> : vector<1000x128xf32>
    %dot_general3A_39 = tpu.matmul %add3A_26, %get3A_37, %dot_general3A_38 {dimension_numbers = #tpu.dot_dimension_numbers<[1], [0], [0], [1], [0, 0, 1, 1], [], []>, precision = #tpu.contract_precision<fp32>, transpose_lhs_hint = false} : vector<1000x128xf32>, vector<128x128xf32>, vector<1000x128xf32> -> vector<1000x128xf32>
    %get3A_40 = arith.constant 0 : index
    %get3A_41 = arith.constant 0 : index
    %get3A_42 = vector.load %arg9[%get3A_40, %get3A_41] : memref<1x128xf32, #tpu.memory_space<vmem>>, vector<1x128xf32>
    %add3A_43 = vector.broadcast %get3A_42 : vector<1x128xf32> to vector<1000x128xf32>
    %add3A_44 = arith.addf %dot_general3A_39, %add3A_43 : vector<1000x128xf32>
    %get3A_45 = arith.constant 0 : index
    %get3A_46 = arith.constant 0 : index
    %get3A_47 = vector.load %arg10[%get3A_45, %get3A_46] : memref<128x32xf32, #tpu.memory_space<vmem>>, vector<128x32xf32>
    %dot_general3A_48 = arith.constant dense<0.000000e+00> : vector<1000x32xf32>
    %dot_general3A_49 = tpu.matmul %add3A_44, %get3A_47, %dot_general3A_48 {dimension_numbers = #tpu.dot_dimension_numbers<[1], [0], [0], [1], [0, 0, 1, 1], [], []>, precision = #tpu.contract_precision<fp32>, transpose_lhs_hint = false} : vector<1000x128xf32>, vector<128x32xf32>, vector<1000x32xf32> -> vector<1000x32xf32>
    %swap3A_50 = arith.constant 0 : index
    %swap3A_51 = arith.constant 0 : index
    %swap3A_52 = vector.load %arg13[%swap3A_50, %swap3A_51] : memref<1000x32xf32, #tpu.memory_space<vmem>>, vector<1000x32xf32>
    tpu.vector_store %arg13[%swap3A_50, %swap3A_51], %dot_general3A_49 {strides = array<i32>} : memref<1000x32xf32, #tpu.memory_space<vmem>>, vector<1000x32xf32>,
    %reduce_max3A = vector.shape_cast %dot_general3A_14 : vector<1000x32xf32> to vector<1x1000x32xf32>
    %reduce_max3A_53 = arith.constant dense<0xFF800000> : vector<1xf32>
    %reduce_max3A_54 = vector.multi_reduction <maximumf>, %reduce_max3A, %reduce_max3A_53 [1, 2] : vector<1x1000x32xf32> to vector<1xf32>
    %reduce_max3A_55 = vector.shape_cast %reduce_max3A_54 : vector<1xf32> to vector<1x1x1xf32>
    %reduce_max3A_56 = vector.extract %reduce_max3A_55[0, 0, 0] : f32 from vector<1x1x1xf32>
    %broadcast_in_dim3A_57 = vector.broadcast %reduce_max3A_56 : f32 to vector<1x128xf32>
    %eq3A = arith.constant 0 : i32
    %eq3A_58 = arith.cmpi eq, %arg0, %eq3A : i32
    %convert_element_type3A = arith.extui %eq3A_58 : i1 to i32
    %cond3A = arith.constant 0 : i32
    %cond3A_59 = arith.cmpi ne, %convert_element_type3A, %cond3A : i32
    scf.if %cond3A_59 {
      %swap3A_96 = arith.constant 0 : index
      %swap3A_97 = arith.constant 0 : index
      %swap3A_98 = vector.load %arg14[%swap3A_96, %swap3A_97] : memref<1x128xf32, #tpu.memory_space<vmem>>, vector<1x128xf32>
      tpu.vector_store %arg14[%swap3A_96, %swap3A_97], %broadcast_in_dim3A_57 {strides = array<i32>} : memref<1x128xf32, #tpu.memory_space<vmem>>, vector<1x128xf32>,
    } else {
    }
    %gt3A = arith.constant 0 : i32
    %gt3A_60 = arith.cmpi sgt, %arg0, %gt3A : i32
    %convert_element_type3A_61 = arith.extui %gt3A_60 : i1 to i32
    %cond3A_62 = arith.constant 0 : i32
    %cond3A_63 = arith.cmpi ne, %convert_element_type3A_61, %cond3A_62 : i32
    scf.if %cond3A_63 {
      %get3A_96 = arith.constant 0 : index
      %get3A_97 = arith.constant 0 : index
      %get3A_98 = vector.load %arg14[%get3A_96, %get3A_97] : memref<1x128xf32, #tpu.memory_space<vmem>>, vector<1x128xf32>
      %max3A = arith.maximumf %get3A_98, %broadcast_in_dim3A_57 : vector<1x128xf32>
      %swap3A_99 = arith.constant 0 : index
      %swap3A_100 = arith.constant 0 : index
      %swap3A_101 = vector.load %arg14[%swap3A_99, %swap3A_100] : memref<1x128xf32, #tpu.memory_space<vmem>>, vector<1x128xf32>
      tpu.vector_store %arg14[%swap3A_99, %swap3A_100], %max3A {strides = array<i32>} : memref<1x128xf32, #tpu.memory_space<vmem>>, vector<1x128xf32>,
    } else {
    }
    %reduce_max3A_64 = vector.shape_cast %dot_general3A_31 : vector<1000x32xf32> to vector<1x1000x32xf32>
    %reduce_max3A_65 = arith.constant dense<0xFF800000> : vector<1xf32>
    %reduce_max3A_66 = vector.multi_reduction <maximumf>, %reduce_max3A_64, %reduce_max3A_65 [1, 2] : vector<1x1000x32xf32> to vector<1xf32>
    %reduce_max3A_67 = vector.shape_cast %reduce_max3A_66 : vector<1xf32> to vector<1x1x1xf32>
    %reduce_max3A_68 = vector.extract %reduce_max3A_67[0, 0, 0] : f32 from vector<1x1x1xf32>
    %broadcast_in_dim3A_69 = vector.broadcast %reduce_max3A_68 : f32 to vector<1x128xf32>
    %eq3A_70 = arith.constant 0 : i32
    %eq3A_71 = arith.cmpi eq, %arg0, %eq3A_70 : i32
    %convert_element_type3A_72 = arith.extui %eq3A_71 : i1 to i32
    %cond3A_73 = arith.constant 0 : i32
    %cond3A_74 = arith.cmpi ne, %convert_element_type3A_72, %cond3A_73 : i32
    scf.if %cond3A_74 {
      %swap3A_96 = arith.constant 0 : index
      %swap3A_97 = arith.constant 0 : index
      %swap3A_98 = vector.load %arg15[%swap3A_96, %swap3A_97] : memref<1x128xf32, #tpu.memory_space<vmem>>, vector<1x128xf32>
      tpu.vector_store %arg15[%swap3A_96, %swap3A_97], %broadcast_in_dim3A_69 {strides = array<i32>} : memref<1x128xf32, #tpu.memory_space<vmem>>, vector<1x128xf32>,
    } else {
    }
    %gt3A_75 = arith.constant 0 : i32
    %gt3A_76 = arith.cmpi sgt, %arg0, %gt3A_75 : i32
    %convert_element_type3A_77 = arith.extui %gt3A_76 : i1 to i32
    %cond3A_78 = arith.constant 0 : i32
    %cond3A_79 = arith.cmpi ne, %convert_element_type3A_77, %cond3A_78 : i32
    scf.if %cond3A_79 {
      %get3A_96 = arith.constant 0 : index
      %get3A_97 = arith.constant 0 : index
      %get3A_98 = vector.load %arg15[%get3A_96, %get3A_97] : memref<1x128xf32, #tpu.memory_space<vmem>>, vector<1x128xf32>
      %max3A = arith.maximumf %get3A_98, %broadcast_in_dim3A_69 : vector<1x128xf32>
      %swap3A_99 = arith.constant 0 : index
      %swap3A_100 = arith.constant 0 : index
      %swap3A_101 = vector.load %arg15[%swap3A_99, %swap3A_100] : memref<1x128xf32, #tpu.memory_space<vmem>>, vector<1x128xf32>
      tpu.vector_store %arg15[%swap3A_99, %swap3A_100], %max3A {strides = array<i32>} : memref<1x128xf32, #tpu.memory_space<vmem>>, vector<1x128xf32>,
    } else {
    }
    %reduce_max3A_80 = vector.shape_cast %dot_general3A_49 : vector<1000x32xf32> to vector<1x1000x32xf32>
    %reduce_max3A_81 = arith.constant dense<0xFF800000> : vector<1xf32>
    %reduce_max3A_82 = vector.multi_reduction <maximumf>, %reduce_max3A_80, %reduce_max3A_81 [1, 2] : vector<1x1000x32xf32> to vector<1xf32>
    %reduce_max3A_83 = vector.shape_cast %reduce_max3A_82 : vector<1xf32> to vector<1x1x1xf32>
    %reduce_max3A_84 = vector.extract %reduce_max3A_83[0, 0, 0] : f32 from vector<1x1x1xf32>
    %broadcast_in_dim3A_85 = vector.broadcast %reduce_max3A_84 : f32 to vector<1x128xf32>
    %eq3A_86 = arith.constant 0 : i32
    %eq3A_87 = arith.cmpi eq, %arg0, %eq3A_86 : i32
    %convert_element_type3A_88 = arith.extui %eq3A_87 : i1 to i32
    %cond3A_89 = arith.constant 0 : i32
    %cond3A_90 = arith.cmpi ne, %convert_element_type3A_88, %cond3A_89 : i32
    scf.if %cond3A_90 {
      %swap3A_96 = arith.constant 0 : index
      %swap3A_97 = arith.constant 0 : index
      %swap3A_98 = vector.load %arg16[%swap3A_96, %swap3A_97] : memref<1x128xf32, #tpu.memory_space<vmem>>, vector<1x128xf32>
      tpu.vector_store %arg16[%swap3A_96, %swap3A_97], %broadcast_in_dim3A_85 {strides = array<i32>} : memref<1x128xf32, #tpu.memory_space<vmem>>, vector<1x128xf32>,
    } else {
    }
    %gt3A_91 = arith.constant 0 : i32
    %gt3A_92 = arith.cmpi sgt, %arg0, %gt3A_91 : i32
    %convert_element_type3A_93 = arith.extui %gt3A_92 : i1 to i32
    %cond3A_94 = arith.constant 0 : i32
    %cond3A_95 = arith.cmpi ne, %convert_element_type3A_93, %cond3A_94 : i32
    scf.if %cond3A_95 {
      %get3A_96 = arith.constant 0 : index
      %get3A_97 = arith.constant 0 : index
      %get3A_98 = vector.load %arg16[%get3A_96, %get3A_97] : memref<1x128xf32, #tpu.memory_space<vmem>>, vector<1x128xf32>
      %max3A = arith.maximumf %get3A_98, %broadcast_in_dim3A_85 : vector<1x128xf32>
      %swap3A_99 = arith.constant 0 : index
      %swap3A_100 = arith.constant 0 : index
      %swap3A_101 = vector.load %arg16[%swap3A_99, %swap3A_100] : memref<1x128xf32, #tpu.memory_space<vmem>>, vector<1x128xf32>
      tpu.vector_store %arg16[%swap3A_99, %swap3A_100], %max3A {strides = array<i32>} : memref<1x128xf32, #tpu.memory_space<vmem>>, vector<1x128xf32>,
    } else {
    }
    return
  }
  func.func @transform_0(%arg0: i32) -> (i32, i32) {
    %c0_i32 = arith.constant 0 : i32
    %c0_i32_0 = arith.constant 0 : i32
    return %arg0, %c0_i32 : i32, i32
  }
  func.func @transform_1(%arg0: i32) -> (i32, i32) {
    %c0_i32 = arith.constant 0 : i32
    %c0_i32_0 = arith.constant 0 : i32
    %c0_i32_1 = arith.constant 0 : i32
    return %c0_i32, %c0_i32_0 : i32, i32
  }
  func.func @transform_2(%arg0: i32) -> (i32, i32) {
    %c0_i32 = arith.constant 0 : i32
    %c0_i32_0 = arith.constant 0 : i32
    %c0_i32_1 = arith.constant 0 : i32
    return %c0_i32, %c0_i32_0 : i32, i32
  }
  func.func @transform_3(%arg0: i32) -> (i32, i32) {
    %c0_i32 = arith.constant 0 : i32
    %c0_i32_0 = arith.constant 0 : i32
    %c0_i32_1 = arith.constant 0 : i32
    return %c0_i32, %c0_i32_0 : i32, i32
  }
  func.func @transform_4(%arg0: i32) -> (i32, i32) {
    %c0_i32 = arith.constant 0 : i32
    %c0_i32_0 = arith.constant 0 : i32
    %c0_i32_1 = arith.constant 0 : i32
    return %c0_i32, %c0_i32_0 : i32, i32
  }
  func.func @transform_5(%arg0: i32) -> (i32, i32) {
    %c0_i32 = arith.constant 0 : i32
    %c0_i32_0 = arith.constant 0 : i32
    %c0_i32_1 = arith.constant 0 : i32
    return %c0_i32, %c0_i32_0 : i32, i32
  }
  func.func @transform_6(%arg0: i32) -> (i32, i32) {
    %c0_i32 = arith.constant 0 : i32
    %c0_i32_0 = arith.constant 0 : i32
    %c0_i32_1 = arith.constant 0 : i32
    return %c0_i32, %c0_i32_0 : i32, i32
  }
  func.func @transform_7(%arg0: i32) -> (i32, i32) {
    %c0_i32 = arith.constant 0 : i32
    %c0_i32_0 = arith.constant 0 : i32
    %c0_i32_1 = arith.constant 0 : i32
    return %c0_i32, %c0_i32_0 : i32, i32
  }
  func.func @transform_8(%arg0: i32) -> (i32, i32) {
    %c0_i32 = arith.constant 0 : i32
    %c0_i32_0 = arith.constant 0 : i32
    %c0_i32_1 = arith.constant 0 : i32
    return %c0_i32, %c0_i32_0 : i32, i32
  }
  func.func @transform_9(%arg0: i32) -> (i32, i32) {
    %c0_i32 = arith.constant 0 : i32
    %c0_i32_0 = arith.constant 0 : i32
    %c0_i32_1 = arith.constant 0 : i32
    return %c0_i32, %c0_i32_0 : i32, i32
  }
  func.func @transform_10(%arg0: i32) -> (i32, i32) {
    %c0_i32 = arith.constant 0 : i32
    %c0_i32_0 = arith.constant 0 : i32
    return %arg0, %c0_i32 : i32, i32
  }
  func.func @transform_11(%arg0: i32) -> (i32, i32) {
    %c0_i32 = arith.constant 0 : i32
    %c0_i32_0 = arith.constant 0 : i32
    return %arg0, %c0_i32 : i32, i32
  }
  func.func @transform_12(%arg0: i32) -> (i32, i32) {
    %c0_i32 = arith.constant 0 : i32
    %c0_i32_0 = arith.constant 0 : i32
    return %arg0, %c0_i32 : i32, i32
  }
  func.func @transform_13(%arg0: i32) -> (i32, i32) {
    %c0_i32 = arith.constant 0 : i32
    %c0_i32_0 = arith.constant 0 : i32
    %c0_i32_1 = arith.constant 0 : i32
    return %c0_i32, %c0_i32_0 : i32, i32
  }
  func.func @transform_14(%arg0: i32) -> (i32, i32) {
    %c0_i32 = arith.constant 0 : i32
    %c0_i32_0 = arith.constant 0 : i32
    %c0_i32_1 = arith.constant 0 : i32
    return %c0_i32, %c0_i32_0 : i32, i32
  }
  func.func @transform_15(%arg0: i32) -> (i32, i32) {
    %c0_i32 = arith.constant 0 : i32
    %c0_i32_0 = arith.constant 0 : i32
    %c0_i32_1 = arith.constant 0 : i32
    return %c0_i32, %c0_i32_0 : i32, i32
  }
}

module attributes {stable_mosaic.version = 14 : i64} {
  func.func @body(%arg0: i32, %arg1: memref<1024x128xf32, #tpu.memory_space<vmem>>, %arg2: memref<1024x128xf32, #tpu.memory_space<vmem>>, %arg3: memref<1024xf32, #tpu.memory_space<vmem>>, %arg4: memref<1024xf32, #tpu.memory_space<vmem>>, %arg5: memref<128x128xf32, #tpu.memory_space<vmem>>, %arg6: memref<1x128xf32, #tpu.memory_space<vmem>>, %arg7: memref<1x128xf32, #tpu.memory_space<vmem>>, %arg8: memref<1x128xf32, #tpu.memory_space<vmem>>, %arg9: memref<1x1xf32, #tpu.memory_space<vmem>>, %arg10: memref<1024x128xf32, #tpu.memory_space<vmem>>, %arg11: memref<1024xf32, #tpu.memory_space<vmem>>, %arg12: memref<1024xf32, #tpu.memory_space<vmem>>, %arg13: memref<1x128xf32, #tpu.memory_space<vmem>>, %arg14: memref<1x128xf32, #tpu.memory_space<vmem>>) attributes {dimension_semantics = [#tpu.dimension_semantics<arbitrary>], iteration_bounds = array<i64: 10>, scalar_prefetch = 0 : i64, scratch_operands = 0 : i64, tpu.core_type = #tpu.core_type<tc>, window_params = [{transform_indices = @transform_0, window_bounds = array<i64: 1024, 128>}, {transform_indices = @transform_1, window_bounds = array<i64: 1024, 128>}, {transform_indices = @transform_2, window_bounds = array<i64: 1024>}, {transform_indices = @transform_3, window_bounds = array<i64: 1024>}, {pipeline_mode = #tpu.pipeline_mode<synchronous>, transform_indices = @transform_4, window_bounds = array<i64: 128, 128>}, {pipeline_mode = #tpu.pipeline_mode<synchronous>, transform_indices = @transform_5, window_bounds = array<i64: 1, 128>}, {pipeline_mode = #tpu.pipeline_mode<synchronous>, transform_indices = @transform_6, window_bounds = array<i64: 1, 128>}, {pipeline_mode = #tpu.pipeline_mode<synchronous>, transform_indices = @transform_7, window_bounds = array<i64: 1, 128>}, {pipeline_mode = #tpu.pipeline_mode<synchronous>, transform_indices = @transform_8, window_bounds = array<i64: 1, 1>}, {transform_indices = @transform_9, window_bounds = array<i64: 1024, 128>}, {transform_indices = @transform_10, window_bounds = array<i64: 1024>}, {transform_indices = @transform_11, window_bounds = array<i64: 1024>}, {pipeline_mode = #tpu.pipeline_mode<synchronous>, transform_indices = @transform_12, window_bounds = array<i64: 1, 128>}, {pipeline_mode = #tpu.pipeline_mode<synchronous>, transform_indices = @transform_13, window_bounds = array<i64: 1, 128>}]} {
    %get3A = arith.constant 0 : index
    %get3A_0 = vector.load %arg3[%get3A] : memref<1024xf32, #tpu.memory_space<vmem>>, vector<1024xf32>
    %get3A_1 = arith.constant 0 : index
    %get3A_2 = vector.load %arg4[%get3A_1] : memref<1024xf32, #tpu.memory_space<vmem>>, vector<1024xf32>
    %add3A = arith.addf %get3A_0, %get3A_2 : vector<1024xf32>
    %gt3A = arith.constant 0.000000e+00 : f32
    %gt3A_3 = vector.broadcast %gt3A : f32 to vector<1024xf32>
    %gt3A_4 = arith.cmpf ogt, %add3A, %gt3A_3 : vector<1024xf32>
    %div3A = arith.constant 1.000000e+00 : f32
    %div3A_5 = vector.broadcast %div3A : f32 to vector<1024xf32>
    %div3A_6 = arith.divf %div3A_5, %add3A : vector<1024xf32>
    %jit3A = arith.constant 0.000000e+00 : f32
    %broadcast_in_dim3A = vector.broadcast %jit3A : f32 to vector<1024xf32>
    %select_n3A = arith.select %gt3A_4, %div3A_6, %broadcast_in_dim3A : vector<1024xi1>, vector<1024xf32>
    %get3A_7 = arith.constant 0 : index
    %get3A_8 = arith.constant 0 : index
    %get3A_9 = vector.load %arg1[%get3A_7, %get3A_8] : memref<1024x128xf32, #tpu.memory_space<vmem>>, vector<1024x128xf32>
    %get3A_10 = arith.constant 0 : index
    %get3A_11 = arith.constant 0 : index
    %get3A_12 = vector.load %arg2[%get3A_10, %get3A_11] : memref<1024x128xf32, #tpu.memory_space<vmem>>, vector<1024x128xf32>
    %add3A_13 = arith.addf %get3A_9, %get3A_12 : vector<1024x128xf32>
    %broadcast_in_dim3A_14 = vector.shape_cast %select_n3A : vector<1024xf32> to vector<1024x1xf32>
    %mul3A = vector.broadcast %broadcast_in_dim3A_14 : vector<1024x1xf32> to vector<1024x128xf32>
    %mul3A_15 = arith.mulf %add3A_13, %mul3A : vector<1024x128xf32>
    %get3A_16 = arith.constant 0 : index
    %get3A_17 = arith.constant 0 : index
    %get3A_18 = vector.load %arg9[%get3A_16, %get3A_17] : memref<1x1xf32, #tpu.memory_space<vmem>>, vector<1x1xf32>
    %gt3A_19 = arith.constant 0.000000e+00 : f32
    %gt3A_20 = vector.broadcast %gt3A_19 : f32 to vector<1x1xf32>
    %gt3A_21 = arith.cmpf ogt, %get3A_18, %gt3A_20 : vector<1x1xf32>
    %max3A = arith.constant 0.000000e+00 : f32
    %max3A_22 = vector.broadcast %max3A : f32 to vector<1024x128xf32>
    %max3A_23 = arith.maximumf %mul3A_15, %max3A_22 : vector<1024x128xf32>
    %broadcast_in_dim3A_24 = vector.shape_cast %gt3A_21 : vector<1x1xi1> to vector<1x1xi1>
    %broadcast_in_dim3A_25 = vector.broadcast %broadcast_in_dim3A_24 : vector<1x1xi1> to vector<1024x128xi1>
    %select_n3A_26 = arith.select %broadcast_in_dim3A_25, %max3A_23, %mul3A_15 : vector<1024x128xi1>, vector<1024x128xf32>
    %get3A_27 = arith.constant 0 : index
    %get3A_28 = arith.constant 0 : index
    %get3A_29 = vector.load %arg5[%get3A_27, %get3A_28] : memref<128x128xf32, #tpu.memory_space<vmem>>, vector<128x128xf32>
    %dot_general3A = arith.constant dense<0.000000e+00> : vector<1024x128xf32>
    %dot_general3A_30 = tpu.matmul %select_n3A_26, %get3A_29, %dot_general3A {dimension_numbers = #tpu.dot_dimension_numbers<[1], [0], [0], [1], [0, 0, 1, 1], [], []>, precision = #tpu.contract_precision<fp32>, transpose_lhs_hint = false} : vector<1024x128xf32>, vector<128x128xf32>, vector<1024x128xf32> -> vector<1024x128xf32>
    %get3A_31 = arith.constant 0 : index
    %get3A_32 = arith.constant 0 : index
    %get3A_33 = vector.load %arg6[%get3A_31, %get3A_32] : memref<1x128xf32, #tpu.memory_space<vmem>>, vector<1x128xf32>
    %add3A_34 = vector.broadcast %get3A_33 : vector<1x128xf32> to vector<1024x128xf32>
    %add3A_35 = arith.addf %dot_general3A_30, %add3A_34 : vector<1024x128xf32>
    %swap3A = arith.constant 0 : index
    %swap3A_36 = arith.constant 0 : index
    %swap3A_37 = vector.load %arg10[%swap3A, %swap3A_36] : memref<1024x128xf32, #tpu.memory_space<vmem>>, vector<1024x128xf32>
    tpu.vector_store %arg10[%swap3A, %swap3A_36], %add3A_35 {strides = array<i32>} : memref<1024x128xf32, #tpu.memory_space<vmem>>, vector<1024x128xf32>,
    %get3A_38 = arith.constant 0 : index
    %get3A_39 = arith.constant 0 : index
    %get3A_40 = vector.load %arg7[%get3A_38, %get3A_39] : memref<1x128xf32, #tpu.memory_space<vmem>>, vector<1x128xf32>
    %mul3A_41 = vector.broadcast %get3A_40 : vector<1x128xf32> to vector<1024x128xf32>
    %mul3A_42 = arith.mulf %add3A_35, %mul3A_41 : vector<1024x128xf32>
    %reduce_sum3A = arith.constant dense<0.000000e+00> : vector<1024xf32>
    %reduce_sum3A_43 = vector.multi_reduction <add>, %mul3A_42, %reduce_sum3A [1] : vector<1024x128xf32> to vector<1024xf32>
    %get3A_44 = arith.constant 0 : index
    %get3A_45 = arith.constant 0 : index
    %get3A_46 = vector.load %arg8[%get3A_44, %get3A_45] : memref<1x128xf32, #tpu.memory_space<vmem>>, vector<1x128xf32>
    %mul3A_47 = vector.broadcast %get3A_46 : vector<1x128xf32> to vector<1024x128xf32>
    %mul3A_48 = arith.mulf %add3A_35, %mul3A_47 : vector<1024x128xf32>
    %reduce_sum3A_49 = arith.constant dense<0.000000e+00> : vector<1024xf32>
    %reduce_sum3A_50 = vector.multi_reduction <add>, %mul3A_48, %reduce_sum3A_49 [1] : vector<1024x128xf32> to vector<1024xf32>
    %swap3A_51 = arith.constant 0 : index
    %swap3A_52 = vector.load %arg11[%swap3A_51] : memref<1024xf32, #tpu.memory_space<vmem>>, vector<1024xf32>
    tpu.vector_store %arg11[%swap3A_51], %reduce_sum3A_43 {strides = array<i32>} : memref<1024xf32, #tpu.memory_space<vmem>>, vector<1024xf32>,
    %swap3A_53 = arith.constant 0 : index
    %swap3A_54 = vector.load %arg12[%swap3A_53] : memref<1024xf32, #tpu.memory_space<vmem>>, vector<1024xf32>
    tpu.vector_store %arg12[%swap3A_53], %reduce_sum3A_50 {strides = array<i32>} : memref<1024xf32, #tpu.memory_space<vmem>>, vector<1024xf32>,
    %reduce_max3A = vector.shape_cast %reduce_sum3A_43 : vector<1024xf32> to vector<1x1024xf32>
    %reduce_max3A_55 = arith.constant dense<0xFF800000> : vector<1xf32>
    %reduce_max3A_56 = vector.multi_reduction <maximumf>, %reduce_max3A, %reduce_max3A_55 [1] : vector<1x1024xf32> to vector<1xf32>
    %reduce_max3A_57 = vector.shape_cast %reduce_max3A_56 : vector<1xf32> to vector<1x1xf32>
    %reduce_max3A_58 = vector.extract %reduce_max3A_57[0, 0] : f32 from vector<1x1xf32>
    %broadcast_in_dim3A_59 = vector.broadcast %reduce_max3A_58 : f32 to vector<1x128xf32>
    %reduce_max3A_60 = vector.shape_cast %reduce_sum3A_50 : vector<1024xf32> to vector<1x1024xf32>
    %reduce_max3A_61 = arith.constant dense<0xFF800000> : vector<1xf32>
    %reduce_max3A_62 = vector.multi_reduction <maximumf>, %reduce_max3A_60, %reduce_max3A_61 [1] : vector<1x1024xf32> to vector<1xf32>
    %reduce_max3A_63 = vector.shape_cast %reduce_max3A_62 : vector<1xf32> to vector<1x1xf32>
    %reduce_max3A_64 = vector.extract %reduce_max3A_63[0, 0] : f32 from vector<1x1xf32>
    %broadcast_in_dim3A_65 = vector.broadcast %reduce_max3A_64 : f32 to vector<1x128xf32>
    %eq3A = arith.constant 0 : i32
    %eq3A_66 = arith.cmpi eq, %arg0, %eq3A : i32
    %convert_element_type3A = arith.extui %eq3A_66 : i1 to i32
    %cond3A = arith.constant 0 : i32
    %cond3A_67 = arith.cmpi ne, %convert_element_type3A, %cond3A : i32
    scf.if %cond3A_67 {
      %swap3A_73 = arith.constant 0 : index
      %swap3A_74 = arith.constant 0 : index
      %swap3A_75 = vector.load %arg13[%swap3A_73, %swap3A_74] : memref<1x128xf32, #tpu.memory_space<vmem>>, vector<1x128xf32>
      tpu.vector_store %arg13[%swap3A_73, %swap3A_74], %broadcast_in_dim3A_59 {strides = array<i32>} : memref<1x128xf32, #tpu.memory_space<vmem>>, vector<1x128xf32>,
      %swap3A_76 = arith.constant 0 : index
      %swap3A_77 = arith.constant 0 : index
      %swap3A_78 = vector.load %arg14[%swap3A_76, %swap3A_77] : memref<1x128xf32, #tpu.memory_space<vmem>>, vector<1x128xf32>
      tpu.vector_store %arg14[%swap3A_76, %swap3A_77], %broadcast_in_dim3A_65 {strides = array<i32>} : memref<1x128xf32, #tpu.memory_space<vmem>>, vector<1x128xf32>,
    } else {
    }
    %gt3A_68 = arith.constant 0 : i32
    %gt3A_69 = arith.cmpi sgt, %arg0, %gt3A_68 : i32
    %convert_element_type3A_70 = arith.extui %gt3A_69 : i1 to i32
    %cond3A_71 = arith.constant 0 : i32
    %cond3A_72 = arith.cmpi ne, %convert_element_type3A_70, %cond3A_71 : i32
    scf.if %cond3A_72 {
      %get3A_73 = arith.constant 0 : index
      %get3A_74 = arith.constant 0 : index
      %get3A_75 = vector.load %arg13[%get3A_73, %get3A_74] : memref<1x128xf32, #tpu.memory_space<vmem>>, vector<1x128xf32>
      %max3A_76 = arith.maximumf %get3A_75, %broadcast_in_dim3A_59 : vector<1x128xf32>
      %swap3A_77 = arith.constant 0 : index
      %swap3A_78 = arith.constant 0 : index
      %swap3A_79 = vector.load %arg13[%swap3A_77, %swap3A_78] : memref<1x128xf32, #tpu.memory_space<vmem>>, vector<1x128xf32>
      tpu.vector_store %arg13[%swap3A_77, %swap3A_78], %max3A_76 {strides = array<i32>} : memref<1x128xf32, #tpu.memory_space<vmem>>, vector<1x128xf32>,
      %get3A_80 = arith.constant 0 : index
      %get3A_81 = arith.constant 0 : index
      %get3A_82 = vector.load %arg14[%get3A_80, %get3A_81] : memref<1x128xf32, #tpu.memory_space<vmem>>, vector<1x128xf32>
      %max3A_83 = arith.maximumf %get3A_82, %broadcast_in_dim3A_65 : vector<1x128xf32>
      %swap3A_84 = arith.constant 0 : index
      %swap3A_85 = arith.constant 0 : index
      %swap3A_86 = vector.load %arg14[%swap3A_84, %swap3A_85] : memref<1x128xf32, #tpu.memory_space<vmem>>, vector<1x128xf32>
      tpu.vector_store %arg14[%swap3A_84, %swap3A_85], %max3A_83 {strides = array<i32>} : memref<1x128xf32, #tpu.memory_space<vmem>>, vector<1x128xf32>,
    } else {
    }
    return
  }
  func.func @transform_0(%arg0: i32) -> (i32, i32) {
    %c0_i32 = arith.constant 0 : i32
    %c0_i32_0 = arith.constant 0 : i32
    return %arg0, %c0_i32 : i32, i32
  }
  func.func @transform_1(%arg0: i32) -> (i32, i32) {
    %c0_i32 = arith.constant 0 : i32
    %c0_i32_0 = arith.constant 0 : i32
    return %arg0, %c0_i32 : i32, i32
  }
  func.func @transform_2(%arg0: i32) -> i32 {
    %c0_i32 = arith.constant 0 : i32
    return %arg0 : i32
  }
  func.func @transform_3(%arg0: i32) -> i32 {
    %c0_i32 = arith.constant 0 : i32
    return %arg0 : i32
  }
  func.func @transform_4(%arg0: i32) -> (i32, i32) {
    %c0_i32 = arith.constant 0 : i32
    %c0_i32_0 = arith.constant 0 : i32
    %c0_i32_1 = arith.constant 0 : i32
    return %c0_i32, %c0_i32_0 : i32, i32
  }
  func.func @transform_5(%arg0: i32) -> (i32, i32) {
    %c0_i32 = arith.constant 0 : i32
    %c0_i32_0 = arith.constant 0 : i32
    %c0_i32_1 = arith.constant 0 : i32
    return %c0_i32, %c0_i32_0 : i32, i32
  }
  func.func @transform_6(%arg0: i32) -> (i32, i32) {
    %c0_i32 = arith.constant 0 : i32
    %c0_i32_0 = arith.constant 0 : i32
    %c0_i32_1 = arith.constant 0 : i32
    return %c0_i32, %c0_i32_0 : i32, i32
  }
  func.func @transform_7(%arg0: i32) -> (i32, i32) {
    %c0_i32 = arith.constant 0 : i32
    %c0_i32_0 = arith.constant 0 : i32
    %c0_i32_1 = arith.constant 0 : i32
    return %c0_i32, %c0_i32_0 : i32, i32
  }
  func.func @transform_8(%arg0: i32) -> (i32, i32) {
    %c0_i32 = arith.constant 0 : i32
    %c0_i32_0 = arith.constant 0 : i32
    %c0_i32_1 = arith.constant 0 : i32
    return %c0_i32, %c0_i32_0 : i32, i32
  }
  func.func @transform_9(%arg0: i32) -> (i32, i32) {
    %c0_i32 = arith.constant 0 : i32
    %c0_i32_0 = arith.constant 0 : i32
    return %arg0, %c0_i32 : i32, i32
  }
  func.func @transform_10(%arg0: i32) -> i32 {
    %c0_i32 = arith.constant 0 : i32
    return %arg0 : i32
  }
  func.func @transform_11(%arg0: i32) -> i32 {
    %c0_i32 = arith.constant 0 : i32
    return %arg0 : i32
  }
  func.func @transform_12(%arg0: i32) -> (i32, i32) {
    %c0_i32 = arith.constant 0 : i32
    %c0_i32_0 = arith.constant 0 : i32
    %c0_i32_1 = arith.constant 0 : i32
    return %c0_i32, %c0_i32_0 : i32, i32
  }
  func.func @transform_13(%arg0: i32) -> (i32, i32) {
    %c0_i32 = arith.constant 0 : i32
    %c0_i32_0 = arith.constant 0 : i32
    %c0_i32_1 = arith.constant 0 : i32
    return %c0_i32, %c0_i32_0 : i32, i32
  }
}

module attributes {stable_mosaic.version = 14 : i64} {
  func.func @body(%arg0: i32, %arg1: memref<1024x128xf32, #tpu.memory_space<vmem>>, %arg2: memref<1024x128xf32, #tpu.memory_space<vmem>>, %arg3: memref<1024xf32, #tpu.memory_space<vmem>>, %arg4: memref<1024xf32, #tpu.memory_space<vmem>>, %arg5: memref<128x1xf32, #tpu.memory_space<vmem>>, %arg6: memref<1x1xf32, #tpu.memory_space<vmem>>, %arg7: memref<1024x1xf32, #tpu.memory_space<vmem>>) attributes {dimension_semantics = [#tpu.dimension_semantics<arbitrary>], iteration_bounds = array<i64: 10>, scalar_prefetch = 0 : i64, scratch_operands = 0 : i64, tpu.core_type = #tpu.core_type<tc>, window_params = [{transform_indices = @transform_0, window_bounds = array<i64: 1024, 128>}, {transform_indices = @transform_1, window_bounds = array<i64: 1024, 128>}, {transform_indices = @transform_2, window_bounds = array<i64: 1024>}, {transform_indices = @transform_3, window_bounds = array<i64: 1024>}, {pipeline_mode = #tpu.pipeline_mode<synchronous>, transform_indices = @transform_4, window_bounds = array<i64: 128, 1>}, {pipeline_mode = #tpu.pipeline_mode<synchronous>, transform_indices = @transform_5, window_bounds = array<i64: 1, 1>}, {transform_indices = @transform_6, window_bounds = array<i64: 1024, 1>}]} {
    %get3A = arith.constant 0 : index
    %get3A_0 = vector.load %arg3[%get3A] : memref<1024xf32, #tpu.memory_space<vmem>>, vector<1024xf32>
    %get3A_1 = arith.constant 0 : index
    %get3A_2 = vector.load %arg4[%get3A_1] : memref<1024xf32, #tpu.memory_space<vmem>>, vector<1024xf32>
    %add3A = arith.addf %get3A_0, %get3A_2 : vector<1024xf32>
    %gt3A = arith.constant 0.000000e+00 : f32
    %gt3A_3 = vector.broadcast %gt3A : f32 to vector<1024xf32>
    %gt3A_4 = arith.cmpf ogt, %add3A, %gt3A_3 : vector<1024xf32>
    %div3A = arith.constant 1.000000e+00 : f32
    %div3A_5 = vector.broadcast %div3A : f32 to vector<1024xf32>
    %div3A_6 = arith.divf %div3A_5, %add3A : vector<1024xf32>
    %jit3A = arith.constant 0.000000e+00 : f32
    %broadcast_in_dim3A = vector.broadcast %jit3A : f32 to vector<1024xf32>
    %select_n3A = arith.select %gt3A_4, %div3A_6, %broadcast_in_dim3A : vector<1024xi1>, vector<1024xf32>
    %get3A_7 = arith.constant 0 : index
    %get3A_8 = arith.constant 0 : index
    %get3A_9 = vector.load %arg1[%get3A_7, %get3A_8] : memref<1024x128xf32, #tpu.memory_space<vmem>>, vector<1024x128xf32>
    %get3A_10 = arith.constant 0 : index
    %get3A_11 = arith.constant 0 : index
    %get3A_12 = vector.load %arg2[%get3A_10, %get3A_11] : memref<1024x128xf32, #tpu.memory_space<vmem>>, vector<1024x128xf32>
    %add3A_13 = arith.addf %get3A_9, %get3A_12 : vector<1024x128xf32>
    %broadcast_in_dim3A_14 = vector.shape_cast %select_n3A : vector<1024xf32> to vector<1024x1xf32>
    %mul3A = vector.broadcast %broadcast_in_dim3A_14 : vector<1024x1xf32> to vector<1024x128xf32>
    %mul3A_15 = arith.mulf %add3A_13, %mul3A : vector<1024x128xf32>
    %get3A_16 = arith.constant 0 : index
    %get3A_17 = arith.constant 0 : index
    %get3A_18 = vector.load %arg5[%get3A_16, %get3A_17] : memref<128x1xf32, #tpu.memory_space<vmem>>, vector<128x1xf32>
    %dot_general3A = arith.constant dense<0.000000e+00> : vector<1024x1xf32>
    %dot_general3A_19 = tpu.matmul %mul3A_15, %get3A_18, %dot_general3A {dimension_numbers = #tpu.dot_dimension_numbers<[1], [0], [0], [1], [0, 0, 1, 1], [], []>, precision = #tpu.contract_precision<fp32>, transpose_lhs_hint = false} : vector<1024x128xf32>, vector<128x1xf32>, vector<1024x1xf32> -> vector<1024x1xf32>
    %get3A_20 = arith.constant 0 : index
    %get3A_21 = arith.constant 0 : index
    %get3A_22 = vector.load %arg6[%get3A_20, %get3A_21] : memref<1x1xf32, #tpu.memory_space<vmem>>, vector<1x1xf32>
    %add3A_23 = vector.broadcast %get3A_22 : vector<1x1xf32> to vector<1024x1xf32>
    %add3A_24 = arith.addf %dot_general3A_19, %add3A_23 : vector<1024x1xf32>
    %swap3A = arith.constant 0 : index
    %swap3A_25 = arith.constant 0 : index
    %swap3A_26 = vector.load %arg7[%swap3A, %swap3A_25] : memref<1024x1xf32, #tpu.memory_space<vmem>>, vector<1024x1xf32>
    tpu.vector_store %arg7[%swap3A, %swap3A_25], %add3A_24 {strides = array<i32>} : memref<1024x1xf32, #tpu.memory_space<vmem>>, vector<1024x1xf32>,
    return
  }
  func.func @transform_0(%arg0: i32) -> (i32, i32) {
    %c0_i32 = arith.constant 0 : i32
    %c0_i32_0 = arith.constant 0 : i32
    return %arg0, %c0_i32 : i32, i32
  }
  func.func @transform_1(%arg0: i32) -> (i32, i32) {
    %c0_i32 = arith.constant 0 : i32
    %c0_i32_0 = arith.constant 0 : i32
    return %arg0, %c0_i32 : i32, i32
  }
  func.func @transform_2(%arg0: i32) -> i32 {
    %c0_i32 = arith.constant 0 : i32
    return %arg0 : i32
  }
  func.func @transform_3(%arg0: i32) -> i32 {
    %c0_i32 = arith.constant 0 : i32
    return %arg0 : i32
  }
  func.func @transform_4(%arg0: i32) -> (i32, i32) {
    %c0_i32 = arith.constant 0 : i32
    %c0_i32_0 = arith.constant 0 : i32
    %c0_i32_1 = arith.constant 0 : i32
    return %c0_i32, %c0_i32_0 : i32, i32
  }
  func.func @transform_5(%arg0: i32) -> (i32, i32) {
    %c0_i32 = arith.constant 0 : i32
    %c0_i32_0 = arith.constant 0 : i32
    %c0_i32_1 = arith.constant 0 : i32
    return %c0_i32, %c0_i32_0 : i32, i32
  }
  func.func @transform_6(%arg0: i32) -> (i32, i32) {
    %c0_i32 = arith.constant 0 : i32
    %c0_i32_0 = arith.constant 0 : i32
    return %arg0, %c0_i32 : i32, i32
  }
}

</mosaic_0001>

<sc_bundles>
// kernel: closed_call.27.cloned.1.call-start
scs
__scs_entry_jumppad:
0x0: {  	(pc) =	sbr.rel $0x88, $3  }
0x1: {  	(tag) =	ssettag $0x0;
	lr =	simm.s32 $0x1  }
0x2: {  	[smem:$0x3F8D] =	sst lr;
	_ =	strace $0xD0000000  }
0x3: {  	_ = 	snop  }
0x4: {  	_ = 	snop  }
0x5: {  	_ = 	snop  }
0x6: {  	_ = 	snop  }
0x7: {  	_ = 	snop  }
__scs_overlays_trampoline_lowered:
0x8: {  	[smem:$0x3F9C] =	sst s0  }
0x9: {  	[smem:$0x3F9D] =	sst s1  }
0xa: {  	[smem:$0x3F9E] =	sst s2  }
0xb: {  	[smem:$0x3F9F] =	sst s3  }
0xc: {  	[smem:$0x3FA0] =	sst s4  }
0xd: {  	[smem:$0x3FA1] =	sst s5  }
0xe: {  	[smem:$0x3FA2] =	sst s6  }
0xf: {  	[smem:$0x3FA3] =	sst s7  }
0x10: {  	[smem:$0x3FA4] =	sst s8  }
0x11: {  	[smem:$0x3FA5] =	sst s9;
	s0 =	simm.s32 @!p0 $0x0  }
0x12: {  	s1 =	sld [smem:$0x3F8B];
	s0 =	simm.s32 @p0 $0x1  }
0x13: {  	[smem:$0x3FA6] =	sst s0;
	s0 =	simm.s32 @!p1 $0x0  }
0x14: {  	s2 =	sld [smem:$0x3F8A];
	s0 =	simm.s32 @p1 $0x1  }
0x15: {  	[smem:$0x3FA7] =	sst s0;
	s0 =	simm.s32 @!p2 $0x0  }
0x16: {  	s3 =	sld [smem:$0x3FDB];
	s0 =	simm.s32 @p2 $0x1  }
0x17: {  	s4 =	simm.s32 $0x1BF5;
	[smem:$0x3FA9] =	sst s0  }
0x18: {  	s0 =	sld [smem:$0x3F8C];
	_ =	swait.ge [sflag:s4], $0x0  }
0x19: {  	s7 =	sld [smem:$0x3F8D]  }
0x1a: {  	s8 =	sadd.s32 $0xFFFFE003, lr  }
0x1b: {  	s9 =	sadd.s32 $0xFFFFFEF7, lr;
	s5 =	simm.s32 $0xFFFFFFFF;
	p2 =	slt.u32 s8, $0xFFFFF086  }
0x1c: {  	p1 =	slt.u32 s9, $0xF7A;
	s5 =	simm.s32 @!p2 $0x0  }
0x1d: {  	s5 =	simm.s32 @p1 $0x1;
	p0 =	seq.s32 s7, s2  }
0x1e: {  	s7 =	smul.u32 @!p0 $0xF7A, s2;
	p2 =	seq.s32 @!p0 s5, $0x0  }
0x1f: {  	s9 =	smul.u32 $0xF7A, s1;
	s8 =	simm.s32 @!p0 $0x1BF5;
	p2 =	por !p2, p0  }
0x20: {  	[sflag:s8] =	ssyncset.s32 @!p0 $0xFFFFF086;
	s6 =	sadd.s32 @!p0 s3, s7;
	s7 =	simm.s32 @!p0 $0x108  }
0x21: {  	s3 =	sadd.s32 s3, s9;
	s6 =	sadd.s32 @!p0 $0x88, s6;
	s7 =	simm.s32 @p2 $0x1082  }
0x22: {  	[simem:s7], [sflag:s8] =	dma.local @!p0 [hbm:s6], $0xF7A  }
0x23: {  	s9 =	sor.u32 $0xD0000000, s2;
	s6 =	simm.s32 $0x108;
	_ =	swait.ge @!p0 [sflag:s8], $0x0  }
0x24: {  	s3 =	sadd.s32 $0x88, s3;
	s6 =	simm.s32 @!p1 $0x1082;
	[sflag:s4] =	ssyncset.s32 $0xFFFFF086  }
0x25: {  	[simem:s6], [sflag:s4] =	dma.local [hbm:s3], $0xF7A  }
0x26: {  	[smem:$0x3F8D] =	sst s1;
	(tag) =	ssettag s2;
	_ =	strace s9  }
0x27: {  	s1 =	sld [smem:$0x3F9D]  }
0x28: {  	s2 =	sld [smem:$0x3F9E]  }
0x29: {  	s4 =	sld [smem:$0x3FA0]  }
0x2a: {  	p0 =	seq.s32 s5, $0x0;
	s5 =	sld [smem:$0x3FA1]  }
0x2b: {  	s6 =	sld [smem:$0x3FA2]  }
0x2c: {  	s7 =	sld [smem:$0x3FA3]  }
0x2d: {  	s3 =	simm.s32 $0x108;
	s8 =	sld [smem:$0x3FA4]  }
0x2e: {  	s3 =	simm.s32 @!p0 $0x1082;
	s9 =	sld [smem:$0x3FA5]  }
0x2f: {  	lr =	sadd.s32 s0, s3;
	s0 =	sld [smem:$0x3F9C]  }
0x30: {  	s3 =	sld [smem:$0x3F9F]  }
0x31: {  	[smem:$0x3FA8] =	sst s10  }
0x32: {  	s10 =	sld [smem:$0x3FA6];
	_ =	sdelay $0x3  }
0x33: {  	p0 =	seq.s32 s10, $0x1;
	s10 =	sld [smem:$0x3FA8];
	_ =	sdelay $0x3  }
0x34: {  	[smem:$0x3FA8] =	sst s10  }
0x35: {  	s10 =	sld [smem:$0x3FA7];
	_ =	sdelay $0x3  }
0x36: {  	p1 =	seq.s32 s10, $0x1;
	s10 =	sld [smem:$0x3FA8];
	_ =	sdelay $0x3  }
0x37: {  	[smem:$0x3FA8] =	sst s10  }
0x38: {  	s10 =	sld [smem:$0x3FA9]  }
0x39: {  	_ = 	snop;
	(pc) =	sbr.ind lr, $3  }
0x3a: {  	_ = 	snop  }
0x3b: {  	_ = 	snop  }
0x3c: {  	p2 =	seq.s32 s10, $0x1;
	s10 =	sld [smem:$0x3FA8]  }
0x3d: {  	_ =	shalt  }
0x3e: {  	_ =	shalt  }
0x3f: {  	_ =	shalt  }
0x40: {  	_ =	shalt  }
0x41: {  	_ =	shalt  }
0x42: {  	_ =	shalt  }
0x43: {  	_ =	shalt  }
0x44: {  	_ =	shalt  }
0x45: {  	_ =	shalt  }
0x46: {  	_ =	shalt  }
0x47: {  	_ =	shalt  }
0x48: {  	_ =	shalt  }
0x49: {  	_ =	shalt  }
0x4a: {  	_ =	shalt  }
0x4b: {  	_ =	shalt  }
0x4c: {  	_ =	shalt  }
0x4d: {  	_ =	shalt  }
0x4e: {  	_ =	shalt  }
0x4f: {  	_ =	shalt  }
0x50: {  	_ =	shalt  }
0x51: {  	_ =	shalt  }
0x52: {  	_ =	shalt  }
0x53: {  	_ =	shalt  }
0x54: {  	_ =	shalt  }
0x55: {  	_ =	shalt  }
0x56: {  	_ =	shalt  }
0x57: {  	_ =	shalt  }
0x58: {  	_ =	shalt  }
0x59: {  	_ =	shalt  }
0x5a: {  	_ =	shalt  }
0x5b: {  	_ =	shalt  }
0x5c: {  	_ =	shalt  }
0x5d: {  	_ =	shalt  }
0x5e: {  	_ =	shalt  }
0x5f: {  	_ =	shalt  }
0x60: {  	_ =	shalt  }
0x61: {  	_ =	shalt  }
0x62: {  	_ =	shalt  }
0x63: {  	_ =	shalt  }
0x64: {  	_ =	shalt  }
0x65: {  	_ =	shalt  }
0x66: {  	_ =	shalt  }
0x67: {  	_ =	shalt  }
0x68: {  	_ =	shalt  }
0x69: {  	_ =	shalt  }
0x6a: {  	_ =	shalt  }
0x6b: {  	_ =	shalt  }
0x6c: {  	_ =	shalt  }
0x6d: {  	_ =	shalt  }
0x6e: {  	_ =	shalt  }
0x6f: {  	_ =	shalt  }
0x70: {  	_ =	shalt  }
0x71: {  	_ =	shalt  }
0x72: {  	_ =	shalt  }
0x73: {  	_ =	shalt  }
0x74: {  	_ =	shalt  }
0x75: {  	_ =	shalt  }
0x76: {  	_ =	shalt  }
0x77: {  	_ =	shalt  }
0x78: {  	_ =	shalt  }
0x79: {  	_ =	shalt  }
0x7a: {  	_ =	shalt  }
0x7b: {  	_ =	shalt  }
0x7c: {  	_ =	shalt  }
0x7d: {  	_ =	shalt  }
0x7e: {  	_ =	shalt  }
0x7f: {  	_ =	shalt  }
0x80: {  	_ =	shalt  }
0x81: {  	_ =	shalt  }
0x82: {  	_ =	shalt  }
0x83: {  	_ =	shalt  }
0x84: {  	_ =	shalt  }
0x85: {  	_ =	shalt  }
0x86: {  	_ =	shalt  }
0x87: {  	_ =	shalt  }
.Lfunc_end0:
.L_simem_size_0:
called_computation_lowered:
.L_overlay_start_0:
0x88: {  	s2 =	sld [smem:$0x3FD9]  }
0x89: {  	s3 =	sld [smem:$0x3FFE];
	_ =	sdelay $0x1  }
0x8a: {  	s1 =	srdreg.scid  }
0x8b: {  	s0 =	sand.u32 $0x1, s1  }
0x8c: {  	s16 =	sshll.u32 s0, $0xA;
	s2 =	sadd.s32 s3, s2  }
0x8d: {  	s2 =	sadd.s32 s2, s16  }
0x8e: {  	[smem:$0x3FB4] =	sst s2  }
0x8f: {  	_ = 	snop  }
0x90: {  	(tm) =	ssettm $0x1  }
0x91: {  	s17 =	sld [smem:$0x3FFB];
	_ =	sdelay $0x3  }
0x92: {  	_ =	strace s17  }
0x93: {  	s2 =	sld [smem:$0x3FFC];
	_ =	sdelay $0x3  }
0x94: {  	_ =	strace s2  }
0x95: {  	s2 =	sld [smem:$0x3FFD];
	_ =	sdelay $0x3  }
0x96: {  	_ =	strace s2  }
0x97: {  	_ =	strace $0x8FFFFFFF  }
0x98: {  	s18 =	sld [smem:$0x3FDB];
	_ =	sdelay $0x1  }
0x99: {  	s19 =	simm.s32 $_scs_section_size  }
0x9a: {  	s4 =	simm.s32 $_size__tile_overlayer_lowered;
	s5 =	simm.s32 $_tile_overlayer_lowered  }
0x9b: {  	s22 =	simm.s32 $0x1BFF;
	s21 =	sshll.u32 s5, $0x1;
	s2 =	sadd.s32 s19, s18  }
0x9c: {  	s6 =	simm.s32 $0x0;
	s20 =	sshll.u32 s4, $0x1;
	s4 =	sadd.s32 s21, s2  }
0x9d: {  	[timem:s6], [sflag:s22] =	dma.local [hbm:s4], s20  }
0x9e: {  	_ =	swait.ge [sflag:s22], s20  }
0x9f: {  	s3 =	ssub.s32 $0x0, s20;
	[sflag:s22] =	ssyncset.done $0x0  }
0xa0: {  	[sflag:s22] =	ssyncadd.s32 s3;
	_ =	sdelay $0x1  }
0xa1: {  	s23 =	simm.s32 $0x1B8B  }
0xa2: {  	_ =	swait.ge [sflag:s23], $0x1  }
0xa3: {  	[sflag:s23] =	ssyncset.done $0x0  }
0xa4: {  	s25 =	simm.s32 $0x1B8E;
	s24 =	sld [smem:$0x3FFE];
	[sflag:s23] =	ssyncadd.s32 $0xFFFFFFFF  }
0xa5: {  	s26 =	simm.s32 $execute0_lowered;
	[smem:$0x3FD2] =	sst s25  }
0xa6: {  	s4 =	sshll.u32 s26, $0x1;
	_ =	strace $0x80000046;
	[dreg:$0x1] =	wrdreg $0xFFFFFFFF  }
0xa7: {  	s28 =	simm.s32 $_size_execute0_lowered;
	s2 =	sadd.s32 s2, s4;
	[dreg:$0x0] =	wrdreg $0x0  }
0xa8: {  	s4 =	sshll.u32 s28, $0x1;
	[dreg:$0x2] =	wrdreg s2  }
0xa9: {  	[dreg:$0x3] =	wrdreg s4  }
0xaa: {  	[dreg:$0x4] =	wrdreg $0xC0  }
0xab: {  	_ =	task [dreg:s6], $0x5FFFF  }
0xac: {  	[dreg:$0x1] =	wrdreg $0xFFFFFFFF  }
0xad: {  	[dreg:$0x0] =	wrdreg $0x60  }
0xae: {  	[dreg:$0x2] =	wrdreg s24  }
0xaf: {  	[dreg:$0x3] =	wrdreg $0x159800  }
0xb0: {  	[dreg:$0x4] =	wrdreg $0x131800  }
0xb1: {  	[dreg:$0x5] =	wrdreg $0x9  }
0xb2: {  	_ =	task.clear_ibuf [dreg:s6], $0x6FFFF;
	_ =	strace $0x90000046  }
0xb3: {  	s29 =	simm.s32 $0x9;
	_ =	strace $0x80000048  }
0xb4: {  	_ =	swait.ge [sflag:s29], $0x1  }
0xb5: {  	[sflag:s29] =	ssyncadd.s32 $0xFFFFFFFF  }
0xb6: {  	_ =	strace $0x90000048  }
0xb7: {  	_ =	sfence  }
0xb8: {  	s30 =	sld [smem:$0x0];
	_ =	sdelay $0x2  }
0xb9: {  	s31 =	sshll.u32 s1, $0xD;
	s1 =	sshrl.u32 s1, $0x2  }
0xba: {  	s3 =	sand.u32 $0x4000, s31;
	s1 =	sadd.s32 s1, s30  }
0xbb: {  	s0 =	sor.u32 s3, s0;
	s1 =	sshll.u32 s1, $0x11  }
0xbc: {  	s0 =	sor.u32 s1, s0  }
0xbd: {  	s0 =	sadd.s32 $0x8F2B, s0  }
0xbe: {  	[sflag:s0] =	ssyncadd.remote.s32 $0x1  }
0xbf: {  	_ =	sfence.sel $0xFFFF  }
0xc0: {  	[dreg:$0x0] =	wrdreg $0xFFFFFFFF;
	(pc) =	sbr.abs _section_cstart, $3  }
0xc1: {  	[dreg:$0x1] =	wrdreg $0xFFFFFFFF  }
0xc2: {  	_ =	task.clear_ibuf [dreg:s6], $0x2FFFF;
	_ =	strace $0x9FFFFFFF  }
0xc3: {  	(tm) =	ssettm $0x7FFFFFFF  }
tec
execute0_lowered:
.L_overlay_start_1:
0x0: {  	(tag) =	ssettag $0x1  }
0x1: {  	s0 =	rddreg [dreg:$0x0]  }
0x2: {  	s1 =	rddreg [dreg:$0x1]  }
0x3: {  	s2 =	rddreg [dreg:$0x2]  }
0x4: {  	s3 =	srdreg.scid;
	s4 =	simm.s32 $0x0;
	s14 =	stileid.u32  }
0x5: {  	s28 =	simm.s32 $0x4;
	s29 =	simm.s32 $0x7800;
	s30 =	simm.s32 $0xF000  }
0x6: {  	s31 =	simm.s32 $0x11000;
	s3 =	sand.u32 $0x1, s3;
	[smem:$0x7FF] =	sst s4  }
0x7: {  	s7 =	sadd.s32 $0xB3C00, s0;
	s17 =	sadd.s32 $0xB3600, s0;
	s18 =	sadd.s32 $0xB4200, s0  }
0x8: {  	s9 =	sadd.s32 $0xB4400, s0;
	s19 =	sadd.s32 $0xB4A00, s0;
	s11 =	sadd.s32 $0x44800, s0  }
0x9: {  	s13 =	smul.u32 $0x280, s14;
	_ =	strace $0x80000047;
	[dreg:$0x4] =	wrdreg s7  }
0xa: {  	s10 =	sadd.s32 $0x6C800, s0;
	s20 =	smul.u32 $0xA000, s14;
	[dreg:$0x5] =	wrdreg s17  }
0xb: {  	s16 =	smul.u32 $0x14000, s14;
	s26 =	sshll.u32 s14, $0x6;
	[dreg:$0x6] =	wrdreg s18  }
0xc: {  	s5 =	sshll.u32 s3, $0x4;
	[dreg:$0x7] =	wrdreg s19;
	s7 =	sadd.s32 $0x1C800, s0  }
0xd: {  	s8 =	ssub.s32 $0x2, s3;
	p0 =	seq.s32 s3, $0x0;
	s19 =	simm.s32 $0x3  }
0xe: {  	[dreg:$0xd] =	wrdreg s26;
	s3 =	simm.s32 $0x2;
	s6 =	sor.u32 s14, s5  }
0xf: {  	s5 =	sadd.s32 $0x8B600, s0;
	s12 =	sshrl.u32 s8, $0x1;
	s22 =	sadd.s32 s13, s1  }
0x10: {  	s23 =	sshrl.u32 s20, $0x2;
	s24 =	sshrl.u32 s13, $0x3;
	s6 =	smul.u32 $0x500, s6  }
0x11: {  	s11 =	smov.u32 @p0 s7;
	s8 =	ssub.s32 s8, s12;
	s17 =	sshrl.u32 s22, $0x3  }
0x12: {  	s25 =	smax.u32 s8, $0x1;
	[dreg:$0xf] =	wrdreg s17;
	s6 =	sadd.s32 s6, s0  }
0x13: {  	s20 =	simm.s32 $0x2800;
	[dreg:$0xb] =	wrdreg s25;
	s15 =	sadd.s32 $0x6D400, s6  }
0x14: {  	s7 =	simm.s32 $0x0;
	s21 =	sadd.s32 $0x77400, s6;
	[dreg:$0x8] =	wrdreg s15  }
0x15: {  	s0 =	sadd.s32 $0x6CE00, s0;
	s6 =	sadd.s32 $0x81600, s6;
	[dreg:$0x9] =	wrdreg s21  }
0x16: {  	s0 =	smov.u32 @p0 s10;
	[dreg:$0xa] =	wrdreg s6;
	s15 =	sadd.s32 s23, s2  }
0x17: {  	s0 =	sadd.s32 s0, s24;
	s23 =	simm.s32 $0x4;
	s24 =	sor.u32 $0x1C03, s26  }
0x18: {  	s26 =	simm.s32 $0x200;
	s21 =	simm.s32 $0x10;
	[dreg:$0xc] =	wrdreg s0  }
0x19: {  	s23 =	simm.s32 @!p0 $0x3;
	s0 =	simm.s32 $0x1;
	[dreg:$0xe] =	wrdreg s24  }
.LBB2_1:
0x1a: {  	[dreg:$0x10] =	wrdreg s7  }
0x1b: {  	s6 =	rddreg [dreg:$0x4]  }
0x1c: {  	[tilespmem:s4], [sflag:$0x3] =	stream.linear.gather [hbm4b:s6+s4], $0x2800, $0x38;
	[tilespmem:$0x15C00] =	vst v63  }
0x1d: {  	_ =	swait.ge [sflag:s19], $0x2800  }
0x1e: {  	[sflag:s19] =	ssyncset.done $0x0  }
0x1f: {  	s12 =	rddreg [dreg:$0x5];
	[sflag:s19] =	ssyncadd.s32 $0xFFFFD800  }
0x20: {  	[tilespmem:s20], [sflag:$0x3] =	stream.linear.gather [hbm4b:s12+s4], $0x2800, $0x38;
	[tilespmem:$0x15C00] =	vst v63  }
0x21: {  	_ =	swait.ge [sflag:s19], $0x2800  }
0x22: {  	[sflag:s19] =	ssyncset.done $0x0  }
0x23: {  	s7 =	simm.s32 $0x5000;
	s13 =	rddreg [dreg:$0x8];
	[sflag:s19] =	ssyncadd.s32 $0xFFFFD800  }
0x24: {  	[tilespmem:s7], [sflag:$0x3] =	stream.linear.gather [hbm4b:s13+s4], $0x2800, $0x38;
	[tilespmem:$0x15C00] =	vst v63  }
0x25: {  	_ =	swait.ge [sflag:s19], $0x2800  }
0x26: {  	[sflag:s19] =	ssyncset.done $0x0  }
0x27: {  	s10 =	simm.s32 $0xA000;
	s14 =	rddreg [dreg:$0x9];
	[sflag:s19] =	ssyncadd.s32 $0xFFFFD800  }
0x28: {  	[tilespmem:s10], [sflag:$0x3] =	stream.linear.gather [hbm4b:s14+s4], $0x2800, $0x38;
	[tilespmem:$0x15C00] =	vst v63  }
0x29: {  	_ =	swait.ge [sflag:s19], $0x2800  }
0x2a: {  	[sflag:s19] =	ssyncset.done $0x0  }
0x2b: {  	s12 =	simm.s32 $0xC800;
	s18 =	rddreg [dreg:$0xa];
	[sflag:s19] =	ssyncadd.s32 $0xFFFFD800  }
0x2c: {  	[tilespmem:s12], [sflag:$0x3] =	stream.linear.gather [hbm4b:s18+s4], $0x2800, $0x38;
	[tilespmem:$0x15C00] =	vst v63  }
0x2d: {  	_ =	swait.ge [sflag:s19], $0x2800  }
0x2e: {  	[sflag:s19] =	ssyncset.done $0x0  }
0x2f: {  	s8 =	simm.s32 $0x13000;
	s22 =	rddreg [dreg:$0x6];
	[sflag:s19] =	ssyncadd.s32 $0xFFFFD800  }
0x30: {  	[tilespmem:s8], [sflag:$0x3] =	stream.linear.gather [hbm4b:s22+s4], $0x180, $0x38;
	[tilespmem:$0x15C00] =	vst v63  }
0x31: {  	_ =	swait.ge [sflag:s19], $0x180  }
0x32: {  	[sflag:s19] =	ssyncset.done $0x0  }
0x33: {  	s25 =	rddreg [dreg:$0x7];
	[sflag:s19] =	ssyncadd.s32 $0xFFFFFE80  }
0x34: {  	[spmem:s17], [sflag:s24] =	dma.local [hbm:s25], $0x50  }
0x35: {  	_ =	swait.ge [sflag:s19], $0x50  }
0x36: {  	[sflag:s19] =	ssyncset.done $0x0  }
0x37: {  	[sflag:s19] =	ssyncadd.s32 $0xFFFFFFB0  }
0x38: {  	[bflag:$0x0] =	sbarrier.arrive $0xFFFF  }
0x39: {  	v0 =	vld [tilespmem:$0x13000]  }
0x3a: {  	v1 =	vld [tilespmem:$0x13080];
	_ =	sdelay $0x1  }
0x3b: {  	v2 =	vld [tilespmem:$0x13100];
	_ =	sdelay $0x2  }
0x3c: {  	v0 =	vadd.f32 v1, v0;
	_ =	sdelay $0x1  }
0x3d: {  	s8 =	simm.s32 $0x0;
	v0 =	vadd.f32 v2, v0  }
.LBB2_2:
0x3e: {  	v2 =	vmov s7  }
0x3f: {  	v3 =	vmov s10;
	_ =	sdelay $0x2  }
0x40: {  	s13 =	simm.s32 $0x0  }
0x41: {  	v1 =	vmov s12;
	s14 =	simm.s32 $0x40;
	v4 =	vld.idx.msk [tilespmem:v2+s13+$0x0 ss:$0x1], $0xffff  }
.LBB2_3:
0x42: {  	p1 =	sne.s32 s14, $0x7C0;
	v5 =	vld.idx.msk [tilespmem:v3+s13+$0x0 ss:$0x1], $0xffff;
	_ =	sdelay $0x6  }
0x43: {  	v4 =	vld.idx.msk [tilespmem:v4+s20+$0x0], $0xffff  }
0x44: {  	v5 =	vld.idx.msk [tilespmem:v5+s4+$0x0], $0xffff;
	_ =	sdelay $0x1  }
0x45: {  	v6 =	vld.idx.msk [tilespmem:v1+s13+$0x0 ss:$0x1], $0xffff;
	_ =	sdelay $0x3  }
0x46: {  	v4 =	vadd.f32 v4, v5;
	_ =	sdelay $0x1  }
0x47: {  	v4 =	vadd.f32 v6, v4;
	_ =	sdelay $0x1  }
0x48: {  	v5 =	vmul.f32 $2.000000030e-01, v4  }
0x49: {  	vm0 =	vgt.f32 v4, $0.0e+00  }
0x4a: {  	v4 =	vsel vm0, v4, v5  }
0x4b: {  	v4 =	vsub.f32 v4, v0;
	_ =	sdelay $0x1  }
0x4c: {  	v4 =	vmul.f32 $1.442695020e+00, v4;
	_ =	sdelay $0x1  }
0x4d: {  	(erf) = vpow2.f32 v4;
	_ =	sdelay $0x6  }
.Ltmp0:
0x4e: {  	(pc) =	sbr.rel @p1 .LBB2_3-.Ltmp0, $4  }
0x4f: {  	_ = 	snop  }
0x50: {  	v4 =	vpop (erf)  }
0x51: {  	[tilespmem:v1+s13+$0x0 ss:$0x1] =	vst.idx.msk $0xffff, v4;
	s13 =	sshra.s32 s14, $0x2  }
0x52: {  	s14 =	sadd.s32 $0x40, s14;
	v4 =	vld.idx.msk [tilespmem:v2+s13+$0x0 ss:$0x1], $0xffff  }
0x53: {  	_ =	sdelay $0x3  }
0x54: {  	v2 =	vld.idx.msk [tilespmem:v3+s13+$0x0 ss:$0x1], $0xffff;
	_ =	sdelay $0x6  }
0x55: {  	v3 =	vld.idx.msk [tilespmem:v4+s20+$0x0], $0xffff  }
0x56: {  	v2 =	vld.idx.msk [tilespmem:v2+s4+$0x0], $0xffff;
	_ =	sdelay $0x1  }
0x57: {  	v63 =	vld.idx.msk [tilespmem:v1+s13+$0x0 ss:$0x1], $0xffff;
	_ =	sdelay $0x2  }
0x58: {  	v2 =	vadd.f32 v3, v2;
	_ =	sdelay $0x1  }
0x59: {  	v2 =	vadd.f32 v63, v2;
	_ =	sdelay $0x1  }
0x5a: {  	v3 =	vmul.f32 $2.000000030e-01, v2  }
0x5b: {  	vm0 =	vgt.f32 v2, $0.0e+00  }
0x5c: {  	v2 =	vsel vm0, v2, v3  }
0x5d: {  	v2 =	vsub.f32 v2, v0;
	_ =	sdelay $0x1  }
0x5e: {  	v2 =	vmul.f32 $1.442695020e+00, v2;
	_ =	sdelay $0x1  }
0x5f: {  	(erf) = vpow2.f32 v2;
	_ =	sdelay $0x3  }
0x60: {  	s8 =	sadd.s32 $0x1, s8  }
0x61: {  	p1 =	sne.s32 s8, $0x14  }
.Ltmp1:
0x62: {  	_ = 	snop;
	(pc) =	sbr.rel @p1 .LBB2_2-.Ltmp1, $3  }
0x63: {  	_ =	sdelay $0x1  }
0x64: {  	v2 =	vpop (erf)  }
0x65: {  	s10 =	sadd.s32 $0x200, s10;
	s7 =	sadd.s32 $0x200, s7;
	s12 =	sadd.s32 $0x200, s12;
	[tilespmem:v1+s13+$0x0 ss:$0x1] =	vst.idx.msk $0xffff, v2  }
0x66: {  	s6 =	simm.s32 $0xC800;
	s7 =	simm.s32 $0xA000  }
0x67: {  	[spmem:s1] =	stream.indirect.scatter.add.f32 [tilespmem:s6], [sflag:$0x3], $0x1, s7, s26, $0xb8;
	[tilespmem:$0x15C00] =	vst v63  }
0x68: {  	s7 =	simm.s32 $0x800;
	_ =	swait.ge [sflag:s19], $0x200  }
.LBB2_6:
0x69: {  	s6 =	sshra.s32 s7, $0x2  }
0x6a: {  	[sflag:s19] =	ssyncset.done $0x0;
	p1 =	sne.s32 s7, $0x9800;
	s8 =	sadd.s32 $0xC800, s6  }
.Ltmp2:
0x6b: {  	s6 =	sadd.s32 $0xA000, s6;
	[sflag:s19] =	ssyncadd.s32 $0xFFFFFE00;
	(pc) =	sbr.rel @p1 .LBB2_6-.Ltmp2, $3  }
0x6c: {  	[spmem:s1] =	stream.indirect.scatter.add.f32 [tilespmem:s8], [sflag:$0x3], $0x1, s6, s26, $0xb8;
	[tilespmem:$0x15C00] =	vst v63  }
0x6d: {  	s7 =	sadd.s32 $0x800, s7;
	_ =	sdelay $0x1  }
0x6e: {  	_ =	swait.ge [sflag:s19], $0x200  }
0x6f: {  	[sflag:s19] =	ssyncset.done $0x0  }
0x70: {  	[sflag:s19] =	ssyncadd.s32 $0xFFFFFE00  }
0x71: {  	[bflag:$0x0] =	sbarrier.arrive $0xFFFF  }
0x72: {  	s6 =	rddreg [dreg:$0xc]  }
0x73: {  	[hbm:s6], [sflag:s24] =	dma.local [spmem:s17], $0x50  }
0x74: {  	_ =	swait.ge [sflag:s19], $0x50  }
0x75: {  	s25 =	rddreg [dreg:$0xd]  }
0x76: {  	[sflag:s19] =	ssyncset.done $0x0;
	s7 =	sor.u32 $0x1C04, s25  }
0x77: {  	s10 =	simm.s32 $0x0;
	[sflag:s19] =	ssyncadd.s32 $0xFFFFFFB0;
	s24 =	smov.u32 @p0 s7  }
.LBB2_8:
0x78: {  	v0 =	vmov s10;
	s8 =	simm.s32 $0x5000;
	s12 =	simm.s32 $0x7800;
	s13 =	simm.s32 $0x0  }
.LBB2_9:
0x79: {  	v2 =	vmov s8;
	_ =	sdelay $0x3  }
0x7a: {  	v1 =	vmov s12;
	s14 =	simm.s32 $0x0;
	s17 =	simm.s32 $0x40  }
.LBB2_10:
0x7b: {  	p1 =	sne.s32 s17, $0x7C0;
	v3 =	vld.idx.msk [tilespmem:v2+s14+$0x0 ss:$0x1], $0xffff;
	_ =	sdelay $0x3  }
.Ltmp3:
0x7c: {  	(pc) =	sbr.rel @p1 .LBB2_10-.Ltmp3, $4  }
0x7d: {  	_ = 	snop  }
0x7e: {  	v3 =	vshll.u32 v3, $0x3  }
0x7f: {  	v3 =	vadd.s32 v0, v3  }
0x80: {  	[tilespmem:v1+s14+$0x0 ss:$0x1] =	vst.idx.msk $0xffff, v3;
	s14 =	sshra.s32 s17, $0x2;
	s17 =	sadd.s32 $0x40, s17  }
0x81: {  	_ =	sdelay $0x3  }
0x82: {  	v2 =	vld.idx.msk [tilespmem:v2+s14+$0x0 ss:$0x1], $0xffff  }
0x83: {  	s13 =	sadd.s32 $0x1, s13  }
0x84: {  	p1 =	sne.s32 s13, $0x14  }
.Ltmp4:
0x85: {  	_ = 	snop;
	(pc) =	sbr.rel @p1 .LBB2_9-.Ltmp4, $4  }
0x86: {  	_ = 	snop  }
0x87: {  	v2 =	vshll.u32 v2, $0x3  }
0x88: {  	v2 =	vadd.s32 v0, v2  }
0x89: {  	s8 =	sadd.s32 $0x200, s8;
	s12 =	sadd.s32 $0x200, s12;
	[tilespmem:v1+s14+$0x0 ss:$0x1] =	vst.idx.msk $0xffff, v2  }
0x8a: {  	s12 =	sshrl.u32 s15, $0x3  }
0x8b: {  	[spmem:s12], [sflag:s7] =	dma.local [hbm:s9], $0x500  }
0x8c: {  	_ =	swait.ge [sflag:s28], $0x500  }
0x8d: {  	[sflag:s28] =	ssyncset.done $0x0  }
0x8e: {  	s13 =	simm.s32 $0x0;
	[sflag:s28] =	ssyncadd.s32 $0xFFFFFB00  }
0x8f: {  	s14 =	simm.s32 $0xC800;
	s17 =	simm.s32 $0xCA00;
	[bflag:$0x0] =	sbarrier.arrive $0xFFFF  }
0x90: {  	[tilespmem:s30], [sflag:$0x1] =	stream.indirect.gather [hbm4b:s5+s26], $0x10, s29, s26, $0xb8;
	[tilespmem:$0x15C00] =	vst v63  }
.LBB2_13:
0x91: {  	s22 =	sshll.u32 s13, $0xC  }
0x92: {  	s6 =	sor.u32 $0x800, s22  }
0x93: {  	s18 =	sshrl.u32 s6, $0x2  }
0x94: {  	v0 =	vmov s14;
	s6 =	sadd.s32 $0x7800, s18  }
0x95: {  	[tilespmem:s31], [sflag:$0x2] =	stream.indirect.gather [hbm4b:s5+s26], $0x10, s6, s26, $0xb8;
	[tilespmem:$0x15C00] =	vst v63  }
0x96: {  	_ =	swait.ge [sflag:s0], $0x2000  }
0x97: {  	[sflag:s0] =	ssyncset.done $0x0  }
0x98: {  	s25 =	simm.s32 $0x0;
	[sflag:s0] =	ssyncadd.s32 $0xFFFFE000  }
0x99: {  	v1 =	vld.idx.msk [tilespmem:v0+s25+$0x0 ss:$0x1], $0xffff  }
0x9a: {  	s25 =	simm.s32 $0xF080  }
0x9b: {  	v2 =	vld [tilespmem:s25+$0xFFFFFF80]  }
0x9c: {  	v3 =	vld [tilespmem:s25+$0xFFFFFF90]  }
0x9d: {  	v4 =	vld [tilespmem:s25+$0xFFFFFFA0]  }
0x9e: {  	v5 =	vld [tilespmem:s25+$0xFFFFFFB0];
	v6 =	vbroadcast v1, $0x0  }
0x9f: {  	v9 =	vld [tilespmem:s25+$0xFFFFFFD0];
	v7 =	vbroadcast v1, $0x1  }
0xa0: {  	v8 =	vld [tilespmem:s25+$0xFFFFFFC0];
	v10 =	vbroadcast v1, $0x2;
	v2 =	vmul.f32 v6, v2  }
0xa1: {  	v49 =	vld [tilespmem:s25+$0xFFFFFFE0];
	v48 =	vbroadcast v1, $0x3;
	v3 =	vmul.f32 v3, v7  }
0xa2: {  	v51 =	vld [tilespmem:s25+$0x10];
	v50 =	vbroadcast v1, $0x5;
	v4 =	vmul.f32 v4, v10;
	[tilespmem:s25+$0xFFFFFF80] =	vst v2  }
0xa3: {  	v11 =	vld [tilespmem:s25+$0xFFFFFFF0];
	v5 =	vmul.f32 v5, v48;
	v2 =	vbroadcast v1, $0x4;
	[tilespmem:s25+$0xFFFFFF90] =	vst v3  }
0xa4: {  	v12 =	vbroadcast v1, $0x6;
	v6 =	vmul.f32 v9, v50;
	v3 =	vld [tilespmem:s25+$0x0];
	[tilespmem:s25+$0xFFFFFFA0] =	vst v4  }
0xa5: {  	v57 =	vld [tilespmem:s25+$0x50];
	v55 =	vbroadcast v1, $0x9;
	[tilespmem:s25+$0xFFFFFFB0] =	vst v5;
	v2 =	vmul.f32 v8, v2  }
0xa6: {  	v53 =	vld [tilespmem:s25+$0x20];
	v52 =	vbroadcast v1, $0x7;
	v7 =	vmul.f32 v49, v12;
	[tilespmem:s25+$0xFFFFFFD0] =	vst v6  }
0xa7: {  	v54 =	vld [tilespmem:s25+$0x30];
	v59 =	vmul.f32 v51, v55;
	[tilespmem:s25+$0xFFFFFFC0] =	vst v2;
	v2 =	vbroadcast v1, $0x8  }
0xa8: {  	v56 =	vld [tilespmem:s25+$0x40];
	v62 =	vbroadcast v1, $0xD;
	v4 =	vmul.f32 v11, v52;
	[tilespmem:s25+$0xFFFFFFE0] =	vst v7  }
0xa9: {  	v60 =	vld [tilespmem:s25+$0x60];
	v58 =	vbroadcast v1, $0xA;
	[tilespmem:s25+$0x10] =	vst v59;
	v2 =	vmul.f32 v3, v2  }
0xaa: {  	v61 =	vld [tilespmem:s25+$0x70];
	v5 =	vmul.f32 v57, v62;
	[tilespmem:s25+$0xFFFFFFF0] =	vst v4;
	v3 =	vbroadcast v1, $0xB  }
0xab: {  	v8 =	vmul.f32 v53, v58;
	[tilespmem:s25+$0x0] =	vst v2;
	v2 =	vbroadcast v1, $0xC  }
0xac: {  	v63 =	vbroadcast v1, $0xE;
	[tilespmem:s25+$0x50] =	vst v5;
	v3 =	vmul.f32 v54, v3  }
0xad: {  	[tilespmem:s25+$0x20] =	vst v8;
	v1 =	vbroadcast v1, $0xF;
	v2 =	vmul.f32 v56, v2  }
0xae: {  	[tilespmem:s25+$0x30] =	vst v3;
	v3 =	vmul.f32 v60, v63  }
0xaf: {  	v1 =	vmul.f32 v61, v1;
	[tilespmem:s25+$0x40] =	vst v2  }
0xb0: {  	[tilespmem:s25+$0x60] =	vst v3  }
0xb1: {  	s8 =	simm.s32 $0x80;
	s6 =	simm.s32 $0x10;
	[tilespmem:s25+$0x70] =	vst v1  }
.LBB2_14:
0xb2: {  	p1 =	sne.s32 s8, $0x7C0;
	v1 =	vld.idx.msk [tilespmem:v0+s6+$0x0 ss:$0x1], $0xffff;
	s25 =	sadd.s32 $0x100, s25  }
0xb3: {  	v2 =	vld [tilespmem:s25+$0xFFFFFFB0]  }
0xb4: {  	v3 =	vld [tilespmem:s25+$0xFFFFFF90]  }
0xb5: {  	v4 =	vld [tilespmem:s25+$0xFFFFFF80]  }
0xb6: {  	v5 =	vld [tilespmem:s25+$0xFFFFFFA0]  }
0xb7: {  	v6 =	vld [tilespmem:s25+$0xFFFFFFF0]  }
0xb8: {  	v7 =	vbroadcast v1, $0x0;
	v8 =	vbroadcast v1, $0x1;
	v9 =	vld [tilespmem:s25+$0xFFFFFFD0]  }
0xb9: {  	v10 =	vbroadcast v1, $0x2;
	v11 =	vbroadcast v1, $0x3;
	v12 =	vld [tilespmem:s25+$0xFFFFFFC0]  }
0xba: {  	v3 =	vmul.f32 v3, v8;
	v4 =	vmul.f32 v7, v4;
	v7 =	vld [tilespmem:s25+$0xFFFFFFE0]  }
0xbb: {  	v2 =	vmul.f32 v2, v11;
	v5 =	vmul.f32 v5, v10;
	v8 =	vld [tilespmem:s25+$0x30]  }
0xbc: {  	v10 =	vbroadcast v1, $0x5;
	[tilespmem:s25+$0xFFFFFF80] =	vst v4;
	v4 =	vbroadcast v1, $0x4;
	v11 =	vld [tilespmem:s25+$0x10]  }
0xbd: {  	v13 =	vbroadcast v1, $0x7;
	[tilespmem:s25+$0xFFFFFF90] =	vst v3;
	v3 =	vbroadcast v1, $0x6;
	v14 =	vld [tilespmem:s25+$0x0]  }
0xbe: {  	[tilespmem:s25+$0xFFFFFFA0] =	vst v5;
	v4 =	vmul.f32 v12, v4;
	v5 =	vmul.f32 v9, v10;
	v9 =	vld [tilespmem:s25+$0x20]  }
0xbf: {  	[tilespmem:s25+$0xFFFFFFB0] =	vst v2;
	v2 =	vmul.f32 v7, v3;
	v3 =	vmul.f32 v6, v13;
	v6 =	vld [tilespmem:s25+$0x70]  }
0xc0: {  	v7 =	vbroadcast v1, $0x9;
	[tilespmem:s25+$0xFFFFFFC0] =	vst v4;
	v4 =	vbroadcast v1, $0x8;
	v10 =	vld [tilespmem:s25+$0x50]  }
0xc1: {  	v12 =	vbroadcast v1, $0xB;
	[tilespmem:s25+$0xFFFFFFD0] =	vst v5;
	v5 =	vbroadcast v1, $0xA;
	v13 =	vld [tilespmem:s25+$0x40]  }
0xc2: {  	[tilespmem:s25+$0xFFFFFFE0] =	vst v2;
	v2 =	vmul.f32 v14, v4;
	v4 =	vmul.f32 v11, v7;
	v7 =	vld [tilespmem:s25+$0x60]  }
0xc3: {  	[tilespmem:s25+$0xFFFFFFF0] =	vst v3;
	v3 =	vmul.f32 v9, v5;
	v5 =	vmul.f32 v8, v12  }
0xc4: {  	v8 =	vbroadcast v1, $0xD;
	[tilespmem:s25+$0x0] =	vst v2;
	v2 =	vbroadcast v1, $0xC  }
0xc5: {  	[tilespmem:s25+$0x10] =	vst v4;
	v4 =	vbroadcast v1, $0xE;
	v1 =	vbroadcast v1, $0xF  }
0xc6: {  	[tilespmem:s25+$0x20] =	vst v3;
	v2 =	vmul.f32 v13, v2;
	v3 =	vmul.f32 v10, v8  }
.Ltmp5:
0xc7: {  	[tilespmem:s25+$0x30] =	vst v5;
	v4 =	vmul.f32 v7, v4;
	v1 =	vmul.f32 v6, v1;
	(pc) =	sbr.rel @p1 .LBB2_14-.Ltmp5, $4  }
0xc8: {  	[tilespmem:s25+$0x40] =	vst v2  }
0xc9: {  	[tilespmem:s25+$0x50] =	vst v3  }
0xca: {  	[tilespmem:s25+$0x60] =	vst v4  }
0xcb: {  	s6 =	sshra.s32 s8, $0x2;
	s8 =	sadd.s32 $0x40, s8;
	[tilespmem:s25+$0x70] =	vst v1  }
0xcc: {  	_ =	sdelay $0x3  }
0xcd: {  	v0 =	vld.idx.msk [tilespmem:v0+s6+$0x0 ss:$0x1], $0xffff  }
0xce: {  	s8 =	sadd.s32 $0x100, s25  }
0xcf: {  	v1 =	vld [tilespmem:s8+$0xFFFFFF80]  }
0xd0: {  	v2 =	vld [tilespmem:s8+$0xFFFFFF90]  }
0xd1: {  	v3 =	vld [tilespmem:s8+$0xFFFFFFA0]  }
0xd2: {  	v4 =	vld [tilespmem:s8+$0xFFFFFFB0];
	v5 =	vbroadcast v0, $0x0  }
0xd3: {  	v8 =	vld [tilespmem:s8+$0xFFFFFFD0];
	v6 =	vbroadcast v0, $0x1  }
0xd4: {  	v7 =	vld [tilespmem:s8+$0xFFFFFFC0];
	v9 =	vbroadcast v0, $0x2;
	v1 =	vmul.f32 v5, v1  }
0xd5: {  	v27 =	vld [tilespmem:s8+$0xFFFFFFE0];
	v26 =	vbroadcast v0, $0x3;
	v2 =	vmul.f32 v2, v6  }
0xd6: {  	v29 =	vld [tilespmem:s8+$0x10];
	v28 =	vbroadcast v0, $0x5;
	v3 =	vmul.f32 v3, v9;
	[tilespmem:s8+$0xFFFFFF80] =	vst v1  }
0xd7: {  	v10 =	vld [tilespmem:s8+$0xFFFFFFF0];
	v4 =	vmul.f32 v4, v26;
	v1 =	vbroadcast v0, $0x4;
	[tilespmem:s8+$0xFFFFFF90] =	vst v2  }
0xd8: {  	v11 =	vbroadcast v0, $0x6;
	v5 =	vmul.f32 v8, v28;
	v2 =	vld [tilespmem:s8+$0x0];
	[tilespmem:s8+$0xFFFFFFA0] =	vst v3  }
0xd9: {  	v34 =	vld [tilespmem:s8+$0x50];
	v32 =	vbroadcast v0, $0x9;
	[tilespmem:s8+$0xFFFFFFB0] =	vst v4;
	v1 =	vmul.f32 v7, v1  }
0xda: {  	v30 =	vld [tilespmem:s8+$0x20];
	v6 =	vmul.f32 v27, v11;
	v3 =	vbroadcast v0, $0x7;
	[tilespmem:s8+$0xFFFFFFD0] =	vst v5  }
0xdb: {  	v31 =	vld [tilespmem:s8+$0x30];
	v36 =	vmul.f32 v29, v32;
	[tilespmem:s8+$0xFFFFFFC0] =	vst v1;
	v1 =	vbroadcast v0, $0x8  }
0xdc: {  	v33 =	vld [tilespmem:s8+$0x40];
	v38 =	vbroadcast v0, $0xD;
	[tilespmem:s8+$0xFFFFFFE0] =	vst v6;
	v3 =	vmul.f32 v10, v3  }
0xdd: {  	v37 =	vld [tilespmem:s8+$0x60];
	v35 =	vbroadcast v0, $0xA;
	[tilespmem:s8+$0x10] =	vst v36;
	v1 =	vmul.f32 v2, v1  }
0xde: {  	v4 =	vmul.f32 v34, v38;
	[tilespmem:s8+$0xFFFFFFF0] =	vst v3;
	v3 =	vld [tilespmem:s8+$0x70];
	v2 =	vbroadcast v0, $0xB  }
0xdf: {  	v7 =	vmul.f32 v30, v35;
	[tilespmem:s8+$0x0] =	vst v1;
	v1 =	vbroadcast v0, $0xC  }
0xe0: {  	v39 =	vbroadcast v0, $0xE;
	[tilespmem:s8+$0x50] =	vst v4;
	v2 =	vmul.f32 v31, v2  }
0xe1: {  	[tilespmem:s8+$0x20] =	vst v7;
	v0 =	vbroadcast v0, $0xF;
	v1 =	vmul.f32 v33, v1  }
0xe2: {  	[tilespmem:s8+$0x30] =	vst v2;
	v2 =	vmul.f32 v37, v39  }
0xe3: {  	v0 =	vmul.f32 v3, v0;
	[tilespmem:s8+$0x40] =	vst v1  }
0xe4: {  	s25 =	sshrl.u32 s22, $0x2;
	[tilespmem:s8+$0x60] =	vst v2  }
0xe5: {  	s6 =	sadd.s32 $0xA000, s25;
	[tilespmem:s8+$0x70] =	vst v0  }
0xe6: {  	[spmem:s2] =	stream.indirect.scatter.add.f32 [tilespmem:s30], [sflag:$0x4], $0x10, s6, s26, $0xb8;
	[tilespmem:$0x15C00] =	vst v63  }
0xe7: {  	p1 =	seq.s32 s13, $0x9;
	_ =	swait.ge [sflag:s28], $0x2000  }
0xe8: {  	s8 =	simm.s32 @!p1 $0x200;
	s6 =	sshrl.u32 @!p1 s22, $0x2;
	[sflag:s28] =	ssyncset.done $0x0  }
0xe9: {  	v0 =	vmov s17;
	s22 =	simm.s32 @!p1 $0xF000;
	s6 =	sadd.s32 @!p1 $0x7C00, s6;
	[sflag:s28] =	ssyncadd.s32 $0xFFFFE000  }
0xea: {  	[tilespmem:s22], [sflag:$0x1] =	stream.indirect.gather @!p1 [hbm4b:s5+s8], $0x10, s6, s8, $0xb8;
	[tilespmem:$0x15C00] =	vst v63  }
0xeb: {  	_ =	swait.ge [sflag:s3], $0x2000  }
0xec: {  	[sflag:s3] =	ssyncset.done $0x0  }
0xed: {  	s25 =	simm.s32 $0x0;
	[sflag:s3] =	ssyncadd.s32 $0xFFFFE000  }
0xee: {  	v1 =	vld.idx.msk [tilespmem:v0+s25+$0x0 ss:$0x1], $0xffff  }
0xef: {  	s22 =	simm.s32 $0x110F0  }
0xf0: {  	v2 =	vld [tilespmem:s22+$0xFFFFFF10]  }
0xf1: {  	v3 =	vld [tilespmem:s22+$0xFFFFFF20]  }
0xf2: {  	v40 =	vld [tilespmem:s22+$0xFFFFFF30]  }
0xf3: {  	v41 =	vld [tilespmem:s22+$0xFFFFFF40];
	v42 =	vbroadcast v1, $0x0  }
0xf4: {  	v45 =	vld [tilespmem:s22+$0xFFFFFF60];
	v43 =	vbroadcast v1, $0x1;
	v46 =	vbroadcast v1, $0x2  }
0xf5: {  	v44 =	vld [tilespmem:s22+$0xFFFFFF50];
	v47 =	vbroadcast v1, $0x3;
	v2 =	vmul.f32 v42, v2  }
0xf6: {  	v48 =	vld [tilespmem:s22+$0xFFFFFF70];
	v50 =	vbroadcast v1, $0x5;
	v3 =	vmul.f32 v3, v43  }
0xf7: {  	v51 =	vld [tilespmem:s22+$0xFFFFFFA0];
	v12 =	vbroadcast v1, $0x6;
	v4 =	vmul.f32 v40, v46;
	[tilespmem:s22+$0xFFFFFF10] =	vst v2  }
0xf8: {  	v53 =	vld [tilespmem:s22+$0xFFFFFFB0];
	v5 =	vmul.f32 v41, v47;
	v2 =	vbroadcast v1, $0x4;
	[tilespmem:s22+$0xFFFFFF20] =	vst v3  }
0xf9: {  	v52 =	vbroadcast v1, $0x7;
	v6 =	vmul.f32 v45, v50;
	v3 =	vld [tilespmem:s22+$0xFFFFFF90];
	[tilespmem:s22+$0xFFFFFF30] =	vst v4  }
0xfa: {  	v57 =	vld [tilespmem:s22+$0xFFFFFFE0];
	v55 =	vbroadcast v1, $0x9;
	[tilespmem:s22+$0xFFFFFF40] =	vst v5;
	v2 =	vmul.f32 v44, v2  }
0xfb: {  	v49 =	vld [tilespmem:s22+$0xFFFFFF80];
	v58 =	vbroadcast v1, $0xA;
	v7 =	vmul.f32 v48, v12;
	[tilespmem:s22+$0xFFFFFF60] =	vst v6  }
0xfc: {  	v54 =	vld [tilespmem:s22+$0xFFFFFFC0];
	v9 =	vmul.f32 v51, v55;
	[tilespmem:s22+$0xFFFFFF50] =	vst v2;
	v2 =	vbroadcast v1, $0x8  }
0xfd: {  	v56 =	vld [tilespmem:s22+$0xFFFFFFD0];
	v61 =	vbroadcast v1, $0xD;
	v8 =	vmul.f32 v53, v58;
	[tilespmem:s22+$0xFFFFFF70] =	vst v7  }
0xfe: {  	v60 =	vld [tilespmem:s22+$0x0];
	v59 =	vbroadcast v1, $0xB;
	[tilespmem:s22+$0xFFFFFFA0] =	vst v9;
	v2 =	vmul.f32 v3, v2  }
0xff: {  	v62 =	vbroadcast v1, $0xE;
	v63 =	vmul.f32 v57, v61;
	[tilespmem:s22+$0xFFFFFFB0] =	vst v8;
	v3 =	vld [tilespmem:s22+$0xFFFFFFF0]  }
0x100: {  	v4 =	vmul.f32 v49, v52;
	[tilespmem:s22+$0xFFFFFF90] =	vst v2;
	v2 =	vbroadcast v1, $0xC  }
0x101: {  	v5 =	vmul.f32 v54, v59;
	[tilespmem:s22+$0xFFFFFFE0] =	vst v63;
	v1 =	vbroadcast v1, $0xF  }
0x102: {  	[tilespmem:s22+$0xFFFFFF80] =	vst v4;
	v2 =	vmul.f32 v56, v2  }
0x103: {  	[tilespmem:s22+$0xFFFFFFC0] =	vst v5;
	v1 =	vmul.f32 v60, v1  }
0x104: {  	v3 =	vmul.f32 v3, v62;
	[tilespmem:s22+$0xFFFFFFD0] =	vst v2  }
0x105: {  	[tilespmem:s22+$0x0] =	vst v1  }
0x106: {  	s6 =	simm.s32 $0x10;
	s8 =	simm.s32 $0x80;
	[tilespmem:s22+$0xFFFFFFF0] =	vst v3  }
.LBB2_16:
0x107: {  	p1 =	sne.s32 s8, $0x7C0;
	v1 =	vld.idx.msk [tilespmem:v0+s6+$0x0 ss:$0x1], $0xffff;
	s22 =	sadd.s32 $0x100, s22  }
0x108: {  	v2 =	vld [tilespmem:s22+$0xFFFFFF40]  }
0x109: {  	v3 =	vld [tilespmem:s22+$0xFFFFFF20]  }
0x10a: {  	v4 =	vld [tilespmem:s22+$0xFFFFFF10]  }
0x10b: {  	v5 =	vld [tilespmem:s22+$0xFFFFFF30]  }
0x10c: {  	v6 =	vld [tilespmem:s22+$0xFFFFFF80]  }
0x10d: {  	v7 =	vbroadcast v1, $0x0;
	v8 =	vbroadcast v1, $0x1;
	v9 =	vld [tilespmem:s22+$0xFFFFFF60]  }
0x10e: {  	v10 =	vbroadcast v1, $0x2;
	v11 =	vbroadcast v1, $0x3;
	v12 =	vld [tilespmem:s22+$0xFFFFFF50]  }
0x10f: {  	v3 =	vmul.f32 v3, v8;
	v4 =	vmul.f32 v7, v4;
	v7 =	vld [tilespmem:s22+$0xFFFFFF70]  }
0x110: {  	v2 =	vmul.f32 v2, v11;
	v5 =	vmul.f32 v5, v10;
	v8 =	vld [tilespmem:s22+$0xFFFFFFC0]  }
0x111: {  	v10 =	vbroadcast v1, $0x5;
	[tilespmem:s22+$0xFFFFFF10] =	vst v4;
	v4 =	vbroadcast v1, $0x4;
	v11 =	vld [tilespmem:s22+$0xFFFFFFA0]  }
0x112: {  	v13 =	vbroadcast v1, $0x7;
	[tilespmem:s22+$0xFFFFFF20] =	vst v3;
	v3 =	vbroadcast v1, $0x6;
	v14 =	vld [tilespmem:s22+$0xFFFFFF90]  }
0x113: {  	[tilespmem:s22+$0xFFFFFF30] =	vst v5;
	v4 =	vmul.f32 v12, v4;
	v5 =	vmul.f32 v9, v10;
	v9 =	vld [tilespmem:s22+$0xFFFFFFB0]  }
0x114: {  	[tilespmem:s22+$0xFFFFFF40] =	vst v2;
	v2 =	vmul.f32 v7, v3;
	v3 =	vmul.f32 v6, v13;
	v6 =	vld [tilespmem:s22+$0xFFFFFFF0]  }
0x115: {  	v7 =	vbroadcast v1, $0x9;
	[tilespmem:s22+$0xFFFFFF50] =	vst v4;
	v4 =	vbroadcast v1, $0x8;
	v10 =	vld [tilespmem:s22+$0xFFFFFFE0]  }
0x116: {  	v12 =	vbroadcast v1, $0xB;
	[tilespmem:s22+$0xFFFFFF60] =	vst v5;
	v5 =	vbroadcast v1, $0xA;
	v13 =	vld [tilespmem:s22+$0xFFFFFFD0]  }
0x117: {  	[tilespmem:s22+$0xFFFFFF70] =	vst v2;
	v2 =	vmul.f32 v14, v4;
	v4 =	vmul.f32 v11, v7;
	v7 =	vld [tilespmem:s22+$0x0]  }
0x118: {  	[tilespmem:s22+$0xFFFFFF80] =	vst v3;
	v3 =	vmul.f32 v9, v5;
	v5 =	vmul.f32 v8, v12  }
0x119: {  	v8 =	vbroadcast v1, $0xD;
	[tilespmem:s22+$0xFFFFFF90] =	vst v2;
	v2 =	vbroadcast v1, $0xC  }
0x11a: {  	[tilespmem:s22+$0xFFFFFFA0] =	vst v4;
	v4 =	vbroadcast v1, $0xE;
	v1 =	vbroadcast v1, $0xF  }
0x11b: {  	[tilespmem:s22+$0xFFFFFFB0] =	vst v3;
	v2 =	vmul.f32 v13, v2;
	v3 =	vmul.f32 v10, v8  }
.Ltmp6:
0x11c: {  	[tilespmem:s22+$0xFFFFFFC0] =	vst v5;
	v4 =	vmul.f32 v6, v4;
	v1 =	vmul.f32 v7, v1;
	(pc) =	sbr.rel @p1 .LBB2_16-.Ltmp6, $4  }
0x11d: {  	[tilespmem:s22+$0xFFFFFFD0] =	vst v2  }
0x11e: {  	[tilespmem:s22+$0xFFFFFFE0] =	vst v3  }
0x11f: {  	[tilespmem:s22+$0xFFFFFFF0] =	vst v4  }
0x120: {  	s6 =	sshra.s32 s8, $0x2;
	s8 =	sadd.s32 $0x40, s8;
	[tilespmem:s22+$0x0] =	vst v1  }
0x121: {  	_ =	sdelay $0x3  }
0x122: {  	v0 =	vld.idx.msk [tilespmem:v0+s6+$0x0 ss:$0x1], $0xffff;
	_ =	sdelay $0x3  }
0x123: {  	s8 =	sadd.s32 $0x100, s22  }
0x124: {  	v1 =	vld [tilespmem:s8+$0xFFFFFF10];
	v5 =	vbroadcast v0, $0x0  }
0x125: {  	v2 =	vld [tilespmem:s8+$0xFFFFFF20];
	v6 =	vbroadcast v0, $0x1;
	v9 =	vbroadcast v0, $0x2  }
0x126: {  	v3 =	vld [tilespmem:s8+$0xFFFFFF30];
	v43 =	vbroadcast v0, $0x3;
	v45 =	vbroadcast v0, $0x4  }
0x127: {  	v4 =	vld [tilespmem:s8+$0xFFFFFF40];
	v46 =	vbroadcast v0, $0x5;
	v11 =	vbroadcast v0, $0x6  }
0x128: {  	v8 =	vld [tilespmem:s8+$0xFFFFFF60];
	v49 =	vbroadcast v0, $0x7;
	v52 =	vbroadcast v0, $0x8  }
0x129: {  	v44 =	vld [tilespmem:s8+$0xFFFFFF70];
	v53 =	vbroadcast v0, $0x9;
	v1 =	vmul.f32 v5, v1  }
0x12a: {  	v48 =	vld [tilespmem:s8+$0xFFFFFFA0];
	v56 =	vbroadcast v0, $0xA;
	v2 =	vmul.f32 v2, v6  }
0x12b: {  	v55 =	vld [tilespmem:s8+$0xFFFFFFE0];
	v58 =	vbroadcast v0, $0xB;
	v3 =	vmul.f32 v3, v9;
	[tilespmem:s8+$0xFFFFFF10] =	vst v1  }
0x12c: {  	v59 =	vld [tilespmem:s8+$0x0];
	v60 =	vbroadcast v0, $0xC;
	v4 =	vmul.f32 v4, v43;
	[tilespmem:s8+$0xFFFFFF20] =	vst v2  }
0x12d: {  	v7 =	vld [tilespmem:s8+$0xFFFFFF50];
	v61 =	vbroadcast v0, $0xD;
	v5 =	vmul.f32 v8, v46;
	[tilespmem:s8+$0xFFFFFF30] =	vst v3  }
0x12e: {  	v10 =	vld [tilespmem:s8+$0xFFFFFF80];
	v62 =	vbroadcast v0, $0xE;
	v6 =	vmul.f32 v44, v11;
	[tilespmem:s8+$0xFFFFFF40] =	vst v4  }
0x12f: {  	v50 =	vld [tilespmem:s8+$0xFFFFFFB0];
	v0 =	vbroadcast v0, $0xF;
	v8 =	vmul.f32 v48, v53;
	[tilespmem:s8+$0xFFFFFF60] =	vst v5  }
0x130: {  	v51 =	vld [tilespmem:s8+$0xFFFFFFC0];
	v63 =	vmul.f32 v55, v61;
	[tilespmem:s8+$0xFFFFFF70] =	vst v6  }
0x131: {  	v47 =	vld [tilespmem:s8+$0xFFFFFF90];
	v0 =	vmul.f32 v59, v0;
	[tilespmem:s8+$0xFFFFFFA0] =	vst v8  }
0x132: {  	v57 =	vld [tilespmem:s8+$0xFFFFFFF0];
	v1 =	vmul.f32 v7, v45;
	[tilespmem:s8+$0xFFFFFFE0] =	vst v63  }
0x133: {  	v54 =	vld [tilespmem:s8+$0xFFFFFFD0];
	v3 =	vmul.f32 v10, v49;
	[tilespmem:s8+$0x0] =	vst v0  }
0x134: {  	v7 =	vmul.f32 v50, v56;
	[tilespmem:s8+$0xFFFFFF50] =	vst v1  }
0x135: {  	v4 =	vmul.f32 v51, v58;
	[tilespmem:s8+$0xFFFFFF80] =	vst v3  }
0x136: {  	v1 =	vmul.f32 v47, v52;
	[tilespmem:s8+$0xFFFFFFB0] =	vst v7  }
0x137: {  	v2 =	vmul.f32 v57, v62;
	[tilespmem:s8+$0xFFFFFFC0] =	vst v4  }
0x138: {  	s13 =	sadd.s32 $0x1, s13;
	[tilespmem:s8+$0xFFFFFF90] =	vst v1;
	v1 =	vmul.f32 v54, v60  }
0x139: {  	p1 =	sne.s32 s13, $0xA;
	[tilespmem:s8+$0xFFFFFFF0] =	vst v2  }
.Ltmp7:
0x13a: {  	s25 =	sadd.s32 $0xA000, s18;
	[tilespmem:s8+$0xFFFFFFD0] =	vst v1;
	(pc) =	sbr.rel @p1 .LBB2_13-.Ltmp7, $4  }
0x13b: {  	[spmem:s2] =	stream.indirect.scatter.add.f32 [tilespmem:s31], [sflag:$0x4], $0x10, s25, s26, $0xb8;
	[tilespmem:$0x15C00] =	vst v63  }
0x13c: {  	_ =	swait.ge [sflag:s28], $0x2000  }
0x13d: {  	[sflag:s28] =	ssyncset.done $0x0  }
0x13e: {  	s14 =	sadd.s32 $0x400, s14;
	s17 =	sadd.s32 $0x400, s17;
	[sflag:s28] =	ssyncadd.s32 $0xFFFFE000  }
0x13f: {  	s6 =	sshll.u32 s10, $0x4  }
0x140: {  	s10 =	sadd.s32 $0x1, s10;
	s6 =	sadd.s32 s16, s6  }
0x141: {  	p1 =	sne.s32 s10, $0x8;
	s6 =	sshrl.u32 s6, $0x3  }
.Ltmp8:
0x142: {  	[bflag:$0x0] =	sbarrier.arrive $0xFFFF;
	s6 =	sadd.s32 s11, s6;
	(pc) =	sbr.rel @p1 .LBB2_8-.Ltmp8, $4  }
0x143: {  	[hbm:s6@s21], [sflag:s24] =	dma.strided [spmem:s12@s3], $0x500, s0, $0x2   }
0x144: {  	_ =	swait.ge [sflag:s23], $0x500  }
0x145: {  	[sflag:s23] =	ssyncset.done $0x0  }
0x146: {  	[sflag:s23] =	ssyncadd.s32 $0xFFFFFB00  }
0x147: {  	s7 =	rddreg [dreg:$0x10]  }
0x148: {  	s6 =	rddreg [dreg:$0xb];
	s7 =	sadd.s32 $0x1, s7  }
0x149: {  	p1 =	sne.s32 s7, s6  }
.Ltmp9:
0x14a: {  	_ = 	snop;
	(pc) =	sbr.rel @p1 .LBB2_1-.Ltmp9, $3  }
0x14b: {  	_ =	sdelay $0x1  }
0x14c: {  	s24 =	rddreg [dreg:$0xe]  }
0x14d: {  	s17 =	rddreg [dreg:$0xf]  }
0x14e: {  	_ =	sfence.sel $0x180000  }
0x14f: {  	[bflag:$0x0] =	sbarrier.arrive $0xFFFF  }
0x150: {  	_ =	strace $0x90000047  }
0x151: {  	s0 =	stileid.u32;
	[bflag:$0x2] =	sbarrier.arrive $0xFFFF  }
0x152: {  	p0 =	sne.s32 s0, $0x0;
	s0 =	rddreg [dreg:$0x3]  }
0x153: {  	s0 =	sadd.s32 @!p0 $0x100000, s0  }
0x154: {  	[sflag:s0] =	ssyncadd.tile.s32 @!p0 $0x1;
	_ =	shalt  }
.Lfunc_end2:
_tile_overlayer_lowered:
.L_overlay_start_2:
0x155: {  	(tag) =	ssettag $0x2  }
0x156: {  	s0 =	rddreg [dreg:$0x0];
	s2 =	stileid.u32  }
0x157: {  	s1 =	rddreg [dreg:$0x1];
	p0 =	sne.s32 s2, $0x0  }
0x158: {  	s3 =	rddreg [dreg:$0x2];
	[bflag:$0x3] =	sbarrier.arrive $0xFFFF;
	s2 =	simm.s32 @!p0 $0x1C03  }
0x159: {  	[timem:s3], [sflag:s2] =	dma.local @!p0 [hbm:s0], s1  }
0x15a: {  	s0 =	simm.s32 @!p0 $0x3  }
0x15b: {  	_ =	swait.ge @!p0 [sflag:s0], s1  }
0x15c: {  	s1 =	ssub.s32 @!p0 $0x0, s1;
	[sflag:s0] =	ssyncset.done @!p0 $0x0  }
0x15d: {  	[sflag:s0] =	ssyncadd.s32 @!p0 s1  }
0x15e: {  	[bflag:$0x3] =	sbarrier.arrive $0xFFFF  }
0x15f: {  	_ =	shalt  }

</sc_bundles>
